<compile_context>
chip_gen: v7x
topology: tpu7x:2x2x1
jax: 0.10.2.dev20260603
libtpu: 0.0.44.dev20260713+nightly
codegen_flags: <defaults>
</compile_context>

<pallas_src>
import functools

import jax
import jax.numpy as jnp
from jax.experimental import pallas as pl
from jax.experimental.pallas import tpu as pltpu
from jax.experimental.pallas import tpu_sc as plsc

T, D, E, R, FF = 8192, 768, 64, 32, 768
TB1 = 2048
TB2 = 256
NUM_BLOCKS = 96
NUM_SLOTS = NUM_BLOCKS * TB2
C2 = 512
NW = 32
TPW = T // NW
HP = 128



NB1 = T // TB1


def _route_kernel(x_ref, wgs_ref, bg_ref, g_ref, bs_ref,
                  h_ref, invp_ref, blk_e_ref, used_ref, ch_ref):
    b = pl.program_id(0)

    @pl.when(b < NB1)
    def _gate_step():
        xb = x_ref[...]
        lgh = jax.lax.dot_general(xb, wgs_ref[...], (((1,), (1,)), ((), ())))
        z = g_ref[...] + (lgh[:, :E] + bg_ref[...])
        chosen = jnp.argmax(z, axis=-1).astype(jnp.int32)
        ch_ref[pl.ds(b * TB1, TB1), :] = chosen[:, None]
        h = jnp.maximum(lgh[:, E:E + R] + bs_ref[...], 0.0)
        h_ref[...] = jnp.concatenate(
            [h, jnp.zeros((TB1, HP - R), jnp.float32)], axis=1)

    @pl.when(b == NB1)
    def _bookkeep_step():
        nch = T // C2
        eio = jax.lax.broadcasted_iota(jnp.int32, (C2, E), 1)

        def count_body(i, counts):
            ch = ch_ref[pl.ds(i * C2, C2), :]
            onehot = (ch == eio).astype(jnp.float32)
            return counts + jnp.sum(onehot, axis=0, keepdims=True)

        counts = jax.lax.fori_loop(
            0, nch, count_body, jnp.zeros((1, E), jnp.float32))

        counts_i = counts.astype(jnp.int32)
        padded_i = ((counts_i + (TB2 - 1)) // TB2) * TB2
        padded_f = padded_i.astype(jnp.float32)

        mtri = (jax.lax.broadcasted_iota(jnp.int32, (E, E), 0)
                < jax.lax.broadcasted_iota(jnp.int32, (E, E), 1)).astype(jnp.float32)
        offsets = jnp.dot(padded_f, mtri, precision=jax.lax.Precision.HIGHEST)

        used = (jnp.sum(padded_i) // TB2).astype(jnp.int32)

        ltri = (jax.lax.broadcasted_iota(jnp.int32, (C2, C2), 1)
                < jax.lax.broadcasted_iota(jnp.int32, (C2, C2), 0)).astype(jnp.float32)

        def rank_body(i, running):
            ch = ch_ref[pl.ds(i * C2, C2), :]
            onehot = (ch == eio).astype(jnp.float32)
            excl = jnp.dot(ltri, onehot)
            slot = jnp.sum((offsets + running + excl) * onehot,
                           axis=1, keepdims=True)
            invp_ref[pl.ds(i * C2, C2), :] = slot.astype(jnp.int32)
            return running + jnp.sum(onehot, axis=0, keepdims=True)

        jax.lax.fori_loop(0, nch, rank_body, jnp.zeros((1, E), jnp.float32))

        bs_e = (offsets.astype(jnp.int32) // TB2)
        bc_e = padded_i // TB2
        biota = jax.lax.broadcasted_iota(jnp.int32, (NUM_BLOCKS, E), 0)
        eio_b = jax.lax.broadcasted_iota(jnp.int32, (NUM_BLOCKS, E), 1)
        within = (biota >= bs_e) & (biota < bs_e + bc_e)
        dense = jnp.sum(jnp.where(within, eio_b, 0), axis=1, keepdims=True)
        last_e = jnp.max(jnp.where(bc_e > 0, eio_b[:1, :], -1))
        blk_i = jax.lax.broadcasted_iota(jnp.int32, (NUM_BLOCKS, 1), 0)
        blk_e_ref[...] = jnp.where(blk_i < used, dense, last_e)
        used_ref[...] = jnp.full((1, 1), used, jnp.int32)


def _route(x, Wg, bg, G, Ws, bs):
    wgs = jnp.concatenate([Wg, Ws], axis=0)
    return pl.pallas_call(
        _route_kernel,
        grid=(NB1 + 1,),
        in_specs=[
            pl.BlockSpec((TB1, D), lambda b: (jnp.minimum(b, NB1 - 1), 0)),
            pl.BlockSpec((E + R, D), lambda b: (0, 0)),
            pl.BlockSpec((E,), lambda b: (0,)),
            pl.BlockSpec((TB1, E), lambda b: (jnp.minimum(b, NB1 - 1), 0)),
            pl.BlockSpec((R,), lambda b: (0,)),
        ],
        out_specs=[
            pl.BlockSpec((TB1, HP), lambda b: (jnp.minimum(b, NB1 - 1), 0)),
            pl.BlockSpec((T, 1), lambda b: (0, 0)),
            pl.BlockSpec((NUM_BLOCKS, 1), lambda b: (0, 0)),
            pl.BlockSpec((1, 1), lambda b: (0, 0)),
        ],
        out_shape=[
            jax.ShapeDtypeStruct((T, HP), jnp.float32),
            jax.ShapeDtypeStruct((T, 1), jnp.int32),
            jax.ShapeDtypeStruct((NUM_BLOCKS, 1), jnp.int32),
            jax.ShapeDtypeStruct((1, 1), jnp.int32),
        ],
        scratch_shapes=[pltpu.VMEM((T, 1), jnp.int32)],
        compiler_params=pltpu.CompilerParams(
            dimension_semantics=("arbitrary",)),
    )(x, wgs, bg, G, bs)



@functools.lru_cache(maxsize=None)
def _build_scatter_h():
    mesh = plsc.VectorSubcoreMesh(core_axis_name="c", subcore_axis_name="s")

    @functools.partial(
        pl.kernel,
        mesh=mesh,
        out_type=jax.ShapeDtypeStruct((NUM_SLOTS, HP), jnp.float32),
        scratch_types=[
            pltpu.VMEM((TPW // 128, 128), jnp.int32),
            pltpu.VMEM((TPW, HP), jnp.float32),
            pltpu.SemaphoreType.DMA,
        ],
    )
    def sck(h_hbm, invp_hbm, hs_hbm, idx_v, rows_v, sem):
        wid = jax.lax.axis_index("s") * 2 + jax.lax.axis_index("c")
        base = wid * TPW
        pltpu.sync_copy(h_hbm.at[pl.ds(base, TPW)], rows_v)
        pltpu.sync_copy(invp_hbm.at[pl.ds(wid * (TPW // 128), TPW // 128)], idx_v)
        for j in range(TPW // 128):
            pltpu.async_copy(
                rows_v.at[pl.ds(j * 128, 128)], hs_hbm.at[idx_v.at[j]], sem
            ).wait()

    return sck


def _scatter_h(h, invp2d):
    return _build_scatter_h()(h, invp2d)



def _ffn_kernel(be_ref, us_ref, h_ref, w1_ref, b1_ref, w2_ref, b2_ref, o_ref):
    @pl.when(pl.program_id(0) < us_ref[0])
    def _():
        h = h_ref[...][:, :R].astype(jnp.bfloat16)
        w1 = w1_ref[0].astype(jnp.bfloat16)
        y1 = jax.lax.dot_general(h, w1, (((1,), (1,)), ((), ())),
                                 preferred_element_type=jnp.float32)
        y1 = jnp.maximum(y1 + b1_ref[0], 0.0)
        w2 = w2_ref[0].astype(jnp.bfloat16)
        y = jax.lax.dot_general(y1.astype(jnp.bfloat16), w2,
                                (((1,), (1,)), ((), ())),
                                preferred_element_type=jnp.float32)
        o_ref[...] = y + b2_ref[0]


def _ffn(blk_e, used, hs, W1s, b1s, W2s, b2s):
    grid_spec = pltpu.PrefetchScalarGridSpec(
        num_scalar_prefetch=2,
        grid=(NUM_BLOCKS,),
        in_specs=[
            pl.BlockSpec((TB2, HP), lambda b, be, us: (b, 0)),
            pl.BlockSpec((1, FF, R), lambda b, be, us: (be[b], 0, 0)),
            pl.BlockSpec((1, 1, FF), lambda b, be, us: (be[b], 0, 0)),
            pl.BlockSpec((1, D, FF), lambda b, be, us: (be[b], 0, 0)),
            pl.BlockSpec((1, 1, D), lambda b, be, us: (be[b], 0, 0)),
        ],
        out_specs=pl.BlockSpec(
            (TB2, D), lambda b, be, us: (jnp.minimum(b, us[0] - 1), 0)),
    )
    return pl.pallas_call(
        _ffn_kernel,
        grid_spec=grid_spec,
        out_shape=jax.ShapeDtypeStruct((NUM_SLOTS, D), jnp.float32),
        compiler_params=pltpu.CompilerParams(
            dimension_semantics=("arbitrary",)),
    )(blk_e, used, hs, W1s, b1s, W2s, b2s)



@functools.lru_cache(maxsize=None)
def _build_gather_out():
    mesh = plsc.VectorSubcoreMesh(core_axis_name="c", subcore_axis_name="s")

    @functools.partial(
        pl.kernel,
        mesh=mesh,
        out_type=jax.ShapeDtypeStruct((T, D), jnp.float32),
        scratch_types=[
            pltpu.VMEM((TPW // 128, 128), jnp.int32),
            pltpu.VMEM((128, D), jnp.float32),
            pltpu.SemaphoreType.DMA,
        ],
    )
    def sck(ys_hbm, invp_hbm, out_hbm, idx_v, rows_v, sem):
        wid = jax.lax.axis_index("s") * 2 + jax.lax.axis_index("c")
        base = wid * TPW
        pltpu.sync_copy(invp_hbm.at[pl.ds(wid * (TPW // 128), TPW // 128)], idx_v)
        for j in range(TPW // 128):
            pltpu.async_copy(ys_hbm.at[idx_v.at[j]], rows_v, sem).wait()
            pltpu.sync_copy(rows_v, out_hbm.at[pl.ds(base + j * 128, 128)])

    return sck


def _gather_out(ys, invp2d):
    return _build_gather_out()(ys, invp2d)



def kernel(x, Wg, bg, Ws, bs, W1s, b1s, W2s, b2s):
    G = jax.random.gumbel(jax.random.key(42), (T, E), jnp.float32)
    h, invp, blk_e, used = _route(x, Wg, bg, G, Ws, bs)
    invp2d = invp.reshape(T // 128, 128)
    hs = _scatter_h(h, invp2d)
    ys = _ffn(blk_e.reshape(NUM_BLOCKS), used.reshape(1), hs,
              W1s, b1s.reshape(E, 1, FF), W2s, b2s.reshape(E, 1, D))
    return _gather_out(ys, invp2d)

# --- scband reference (transcript-rebuilt; emitter-appended) ---
"""Pipeline reference for scband-mo-edecomposed-49074296324469 (READ-ONLY COPY).

The authoritative reference and input builder live on the scoring server;
editing this copy changes nothing except your own understanding.
"""

import jax, jax.numpy as jnp
import numpy as np

E = 64
D = 768
R = 32
FF = 768
T = 8192


def setup_inputs(seed: int = 0) -> dict:
    key = jax.random.key(seed)
    ks = jax.random.split(key, 10)
    x = jax.random.normal(ks[0], (T, D), dtype=jnp.float32)
    Wg = jax.random.normal(ks[1], (E, D), dtype=jnp.float32) * 0.02
    bg = jnp.zeros((E,), dtype=jnp.float32)
    Ws = jax.random.normal(ks[2], (R, D), dtype=jnp.float32) * 0.02
    bs = jnp.zeros((R,), dtype=jnp.float32)
    W1s = jax.random.normal(ks[3], (E, FF, R), dtype=jnp.float32) * 0.02
    b1s = jnp.zeros((E, FF), dtype=jnp.float32)
    W2s = jax.random.normal(ks[4], (E, D, FF), dtype=jnp.float32) * 0.02
    b2s = jnp.zeros((E, D), dtype=jnp.float32)
    return {"x": x, "Wg": Wg, "bg": bg, "Ws": Ws, "bs": bs,
            "W1s": W1s, "b1s": b1s, "W2s": W2s, "b2s": b2s}


def reference(x, Wg, bg, Ws, bs, W1s, b1s, W2s, b2s):
    # gate + categorical sample of expert assignment (top-1 stochastic routing)
    gate_logits = x @ Wg.T + bg
    # softmax(gate_logits) then Categorical().sample() == categorical over logits
    chosen = jax.random.categorical(jax.random.key(42), gate_logits, axis=-1)
    num_experts = Wg.shape[0]

    def body(i, out):
        h = x @ Ws.T + bs
        # expert: ReLU -> (Dropout=eval identity) -> Linear(R,FF) -> ReLU -> Linear(FF,D)
        h = jax.nn.relu(h)
        h = h @ W1s[i].T + b1s[i]
        h = jax.nn.relu(h)
        h = h @ W2s[i].T + b2s[i]
        mask = (chosen == i)[:, None]
        return jnp.where(mask, h.astype(jnp.float32), out)

    out = jax.lax.fori_loop(0, num_experts, body, jnp.zeros_like(x))
    return out

if __name__ == "__main__":
    import jax
    _d = setup_inputs()
    print(jax.jit(kernel)(*tuple(_d.values())))

</pallas_src>

<mosaic_0001>
#map = affine_map<(d0, d1) -> (0, 0)>
module attributes {stable_mosaic.version = 14 : i64} {
  func.func @sck(%arg0: i32, %arg1: i32, %arg2: memref<8192x128xf32, #tpu.memory_space<hbm>>, %arg3: memref<64x128xi32, #tpu.memory_space<hbm>>, %arg4: memref<24576x128xf32, #tpu.memory_space<hbm>>, %arg5: memref<2x128xi32, #tpu.memory_space<vmem>>, %arg6: memref<256x128xf32, #tpu.memory_space<vmem>>, %arg7: memref<!tpu.dma_semaphore, #tpu.memory_space<semaphore_mem>>) attributes {dimension_semantics = [#tpu.dimension_semantics<core_parallel>, #tpu.dimension_semantics<subcore_parallel>], iteration_bounds = array<i64: 2, 16>, scalar_prefetch = 0 : i64, scratch_operands = 3 : i64, tpu.core_type = #tpu.core_type<sc_vector_subcore>, window_params = [{transform_indices = #map}, {transform_indices = #map}, {transform_indices = #map}]} {
    %mul3A = arith.constant 2 : i32
    %mul3A_0 = arith.muli %arg1, %mul3A : i32
    %add3A = arith.addi %mul3A_0, %arg0 : i32
    %mul3A_1 = arith.constant 256 : i32
    %mul3A_2 = arith.muli %add3A, %mul3A_1 : i32
    "tpu.region"() ({
      %run_scoped3A = tpu.sem_alloc : memref<!tpu.dma_semaphore, #tpu.memory_space<semaphore_mem>>
      %dma_start3A_43 = arith.constant 0 : i32
      %dma_start3A_44 = tpu.memref_slice %arg2[%mul3A_2, %dma_start3A_43] : memref<8192x128xf32, #tpu.memory_space<hbm>> -> memref<256x128xf32, #tpu.memory_space<hbm>>
      %dma_start3A_45 = arith.constant 0 : i32
      %dma_start3A_46 = tpu.memref_slice %arg2[%mul3A_2, %dma_start3A_45] : memref<8192x128xf32, #tpu.memory_space<hbm>> -> memref<256x128xf32, #tpu.memory_space<hbm>>
      tpu.enqueue_dma source(%dma_start3A_46 : memref<256x128xf32, #tpu.memory_space<hbm>>) target(%arg6 : memref<256x128xf32, #tpu.memory_space<vmem>>) target_semaphore(%run_scoped3A : memref<!tpu.dma_semaphore, #tpu.memory_space<semaphore_mem>>)
      %dma_wait3A_47 = arith.constant 0 : i32
      %dma_wait3A_48 = tpu.memref_slice %arg2[%mul3A_2, %dma_wait3A_47] : memref<8192x128xf32, #tpu.memory_space<hbm>> -> memref<256x128xf32, #tpu.memory_space<hbm>>
      %dma_wait3A_49 = arith.constant 0 : i32
      %dma_wait3A_50 = tpu.memref_slice %arg2[%mul3A_2, %dma_wait3A_49] : memref<8192x128xf32, #tpu.memory_space<hbm>> -> memref<256x128xf32, #tpu.memory_space<hbm>>
      tpu.wait_dma2 semaphore(%run_scoped3A : memref<!tpu.dma_semaphore, #tpu.memory_space<semaphore_mem>>) src(%dma_wait3A_50 : memref<256x128xf32, #tpu.memory_space<hbm>>) dst(%arg6 : memref<256x128xf32, #tpu.memory_space<vmem>>)
      tpu.yield
    }) : () -> ()
    %mul3A_3 = arith.constant 2 : i32
    %mul3A_4 = arith.muli %add3A, %mul3A_3 : i32
    "tpu.region"() ({
      %run_scoped3A = tpu.sem_alloc : memref<!tpu.dma_semaphore, #tpu.memory_space<semaphore_mem>>
      %dma_start3A_43 = arith.constant 0 : i32
      %dma_start3A_44 = tpu.memref_slice %arg3[%mul3A_4, %dma_start3A_43] : memref<64x128xi32, #tpu.memory_space<hbm>> -> memref<2x128xi32, #tpu.memory_space<hbm>>
      %dma_start3A_45 = arith.constant 0 : i32
      %dma_start3A_46 = tpu.memref_slice %arg3[%mul3A_4, %dma_start3A_45] : memref<64x128xi32, #tpu.memory_space<hbm>> -> memref<2x128xi32, #tpu.memory_space<hbm>>
      tpu.enqueue_dma source(%dma_start3A_46 : memref<2x128xi32, #tpu.memory_space<hbm>>) target(%arg5 : memref<2x128xi32, #tpu.memory_space<vmem>>) target_semaphore(%run_scoped3A : memref<!tpu.dma_semaphore, #tpu.memory_space<semaphore_mem>>)
      %dma_wait3A_47 = arith.constant 0 : i32
      %dma_wait3A_48 = tpu.memref_slice %arg3[%mul3A_4, %dma_wait3A_47] : memref<64x128xi32, #tpu.memory_space<hbm>> -> memref<2x128xi32, #tpu.memory_space<hbm>>
      %dma_wait3A_49 = arith.constant 0 : i32
      %dma_wait3A_50 = tpu.memref_slice %arg3[%mul3A_4, %dma_wait3A_49] : memref<64x128xi32, #tpu.memory_space<hbm>> -> memref<2x128xi32, #tpu.memory_space<hbm>>
      tpu.wait_dma2 semaphore(%run_scoped3A : memref<!tpu.dma_semaphore, #tpu.memory_space<semaphore_mem>>) src(%dma_wait3A_50 : memref<2x128xi32, #tpu.memory_space<hbm>>) dst(%arg5 : memref<2x128xi32, #tpu.memory_space<vmem>>)
      tpu.yield
    }) : () -> ()
    %dma_start3A = arith.constant 0 : i32
    %dma_start3A_5 = arith.constant 0 : i32
    %dma_start3A_6 = arith.constant 0 : i32
    %dma_start3A_7 = tpu.memref_slice %arg6[%dma_start3A_5, %dma_start3A_6] : memref<256x128xf32, #tpu.memory_space<vmem>> -> memref<128x128xf32, #tpu.memory_space<vmem>>
    %dma_start3A_8 = arith.constant 0 : i32
    %dma_start3A_9 = tpu.memref_slice %arg5[%dma_start3A, %dma_start3A_8] : memref<2x128xi32, #tpu.memory_space<vmem>> -> memref<1x128xi32, #tpu.memory_space<vmem>>
    %dma_start3A_10 = tpu.memref_squeeze %dma_start3A_9 : memref<1x128xi32, #tpu.memory_space<vmem>> -> memref<128xi32, #tpu.memory_space<vmem>>
    %dma_start3A_11 = arith.constant 0 : i32
    %dma_start3A_12 = arith.constant 0 : i32
    %dma_start3A_13 = tpu.memref_slice %arg4[%dma_start3A_11, %dma_start3A_12] : memref<24576x128xf32, #tpu.memory_space<hbm>> -> memref<24576x128xf32, #tpu.memory_space<hbm>>
    tpu.enqueue_indirect_dma source(%dma_start3A_7 : memref<128x128xf32, #tpu.memory_space<vmem>>) target(%dma_start3A_13 : memref<24576x128xf32, #tpu.memory_space<hbm>>) offsets(%dma_start3A_10 : memref<128xi32, #tpu.memory_space<vmem>>) semaphore(%arg7 : memref<!tpu.dma_semaphore, #tpu.memory_space<semaphore_mem>>)
    %dma_wait3A = arith.constant 0 : i32
    %dma_wait3A_14 = arith.constant 0 : i32
    %dma_wait3A_15 = arith.constant 0 : i32
    %dma_wait3A_16 = tpu.memref_slice %arg6[%dma_wait3A_14, %dma_wait3A_15] : memref<256x128xf32, #tpu.memory_space<vmem>> -> memref<128x128xf32, #tpu.memory_space<vmem>>
    %dma_wait3A_17 = arith.constant 0 : i32
    %dma_wait3A_18 = tpu.memref_slice %arg5[%dma_wait3A, %dma_wait3A_17] : memref<2x128xi32, #tpu.memory_space<vmem>> -> memref<1x128xi32, #tpu.memory_space<vmem>>
    %dma_wait3A_19 = tpu.memref_squeeze %dma_wait3A_18 : memref<1x128xi32, #tpu.memory_space<vmem>> -> memref<128xi32, #tpu.memory_space<vmem>>
    %dma_wait3A_20 = arith.constant 0 : i32
    %dma_wait3A_21 = arith.constant 0 : i32
    %dma_wait3A_22 = tpu.memref_slice %arg4[%dma_wait3A_20, %dma_wait3A_21] : memref<24576x128xf32, #tpu.memory_space<hbm>> -> memref<24576x128xf32, #tpu.memory_space<hbm>>
    tpu.wait_indirect_dma semaphore(%arg7 : memref<!tpu.dma_semaphore, #tpu.memory_space<semaphore_mem>>) src(%dma_wait3A_16 : memref<128x128xf32, #tpu.memory_space<vmem>>) dst(%dma_wait3A_22 : memref<24576x128xf32, #tpu.memory_space<hbm>>)
    %dma_start3A_23 = arith.constant 1 : i32
    %dma_start3A_24 = arith.constant 128 : i32
    %dma_start3A_25 = arith.constant 0 : i32
    %dma_start3A_26 = tpu.memref_slice %arg6[%dma_start3A_24, %dma_start3A_25] : memref<256x128xf32, #tpu.memory_space<vmem>> -> memref<128x128xf32, #tpu.memory_space<vmem>>
    %dma_start3A_27 = arith.constant 0 : i32
    %dma_start3A_28 = tpu.memref_slice %arg5[%dma_start3A_23, %dma_start3A_27] : memref<2x128xi32, #tpu.memory_space<vmem>> -> memref<1x128xi32, #tpu.memory_space<vmem>>
    %dma_start3A_29 = tpu.memref_squeeze %dma_start3A_28 : memref<1x128xi32, #tpu.memory_space<vmem>> -> memref<128xi32, #tpu.memory_space<vmem>>
    %dma_start3A_30 = arith.constant 0 : i32
    %dma_start3A_31 = arith.constant 0 : i32
    %dma_start3A_32 = tpu.memref_slice %arg4[%dma_start3A_30, %dma_start3A_31] : memref<24576x128xf32, #tpu.memory_space<hbm>> -> memref<24576x128xf32, #tpu.memory_space<hbm>>
    tpu.enqueue_indirect_dma source(%dma_start3A_26 : memref<128x128xf32, #tpu.memory_space<vmem>>) target(%dma_start3A_32 : memref<24576x128xf32, #tpu.memory_space<hbm>>) offsets(%dma_start3A_29 : memref<128xi32, #tpu.memory_space<vmem>>) semaphore(%arg7 : memref<!tpu.dma_semaphore, #tpu.memory_space<semaphore_mem>>)
    %dma_wait3A_33 = arith.constant 1 : i32
    %dma_wait3A_34 = arith.constant 128 : i32
    %dma_wait3A_35 = arith.constant 0 : i32
    %dma_wait3A_36 = tpu.memref_slice %arg6[%dma_wait3A_34, %dma_wait3A_35] : memref<256x128xf32, #tpu.memory_space<vmem>> -> memref<128x128xf32, #tpu.memory_space<vmem>>
    %dma_wait3A_37 = arith.constant 0 : i32
    %dma_wait3A_38 = tpu.memref_slice %arg5[%dma_wait3A_33, %dma_wait3A_37] : memref<2x128xi32, #tpu.memory_space<vmem>> -> memref<1x128xi32, #tpu.memory_space<vmem>>
    %dma_wait3A_39 = tpu.memref_squeeze %dma_wait3A_38 : memref<1x128xi32, #tpu.memory_space<vmem>> -> memref<128xi32, #tpu.memory_space<vmem>>
    %dma_wait3A_40 = arith.constant 0 : i32
    %dma_wait3A_41 = arith.constant 0 : i32
    %dma_wait3A_42 = tpu.memref_slice %arg4[%dma_wait3A_40, %dma_wait3A_41] : memref<24576x128xf32, #tpu.memory_space<hbm>> -> memref<24576x128xf32, #tpu.memory_space<hbm>>
    tpu.wait_indirect_dma semaphore(%arg7 : memref<!tpu.dma_semaphore, #tpu.memory_space<semaphore_mem>>) src(%dma_wait3A_36 : memref<128x128xf32, #tpu.memory_space<vmem>>) dst(%dma_wait3A_42 : memref<24576x128xf32, #tpu.memory_space<hbm>>)
    return
  }
}

#map = affine_map<(d0, d1) -> (0, 0)>
module attributes {stable_mosaic.version = 14 : i64} {
  func.func @sck(%arg0: i32, %arg1: i32, %arg2: memref<24576x768xf32, #tpu.memory_space<hbm>>, %arg3: memref<64x128xi32, #tpu.memory_space<hbm>>, %arg4: memref<8192x768xf32, #tpu.memory_space<hbm>>, %arg5: memref<2x128xi32, #tpu.memory_space<vmem>>, %arg6: memref<128x768xf32, #tpu.memory_space<vmem>>, %arg7: memref<!tpu.dma_semaphore, #tpu.memory_space<semaphore_mem>>) attributes {dimension_semantics = [#tpu.dimension_semantics<core_parallel>, #tpu.dimension_semantics<subcore_parallel>], iteration_bounds = array<i64: 2, 16>, scalar_prefetch = 0 : i64, scratch_operands = 3 : i64, tpu.core_type = #tpu.core_type<sc_vector_subcore>, window_params = [{transform_indices = #map}, {transform_indices = #map}, {transform_indices = #map}]} {
    %mul3A = arith.constant 2 : i32
    %mul3A_0 = arith.muli %arg1, %mul3A : i32
    %add3A = arith.addi %mul3A_0, %arg0 : i32
    %mul3A_1 = arith.constant 256 : i32
    %mul3A_2 = arith.muli %add3A, %mul3A_1 : i32
    %mul3A_3 = arith.constant 2 : i32
    %mul3A_4 = arith.muli %add3A, %mul3A_3 : i32
    "tpu.region"() ({
      %run_scoped3A = tpu.sem_alloc : memref<!tpu.dma_semaphore, #tpu.memory_space<semaphore_mem>>
      %dma_start3A_35 = arith.constant 0 : i32
      %dma_start3A_36 = tpu.memref_slice %arg3[%mul3A_4, %dma_start3A_35] : memref<64x128xi32, #tpu.memory_space<hbm>> -> memref<2x128xi32, #tpu.memory_space<hbm>>
      %dma_start3A_37 = arith.constant 0 : i32
      %dma_start3A_38 = tpu.memref_slice %arg3[%mul3A_4, %dma_start3A_37] : memref<64x128xi32, #tpu.memory_space<hbm>> -> memref<2x128xi32, #tpu.memory_space<hbm>>
      tpu.enqueue_dma source(%dma_start3A_38 : memref<2x128xi32, #tpu.memory_space<hbm>>) target(%arg5 : memref<2x128xi32, #tpu.memory_space<vmem>>) target_semaphore(%run_scoped3A : memref<!tpu.dma_semaphore, #tpu.memory_space<semaphore_mem>>)
      %dma_wait3A_39 = arith.constant 0 : i32
      %dma_wait3A_40 = tpu.memref_slice %arg3[%mul3A_4, %dma_wait3A_39] : memref<64x128xi32, #tpu.memory_space<hbm>> -> memref<2x128xi32, #tpu.memory_space<hbm>>
      %dma_wait3A_41 = arith.constant 0 : i32
      %dma_wait3A_42 = tpu.memref_slice %arg3[%mul3A_4, %dma_wait3A_41] : memref<64x128xi32, #tpu.memory_space<hbm>> -> memref<2x128xi32, #tpu.memory_space<hbm>>
      tpu.wait_dma2 semaphore(%run_scoped3A : memref<!tpu.dma_semaphore, #tpu.memory_space<semaphore_mem>>) src(%dma_wait3A_42 : memref<2x128xi32, #tpu.memory_space<hbm>>) dst(%arg5 : memref<2x128xi32, #tpu.memory_space<vmem>>)
      tpu.yield
    }) : () -> ()
    %dma_start3A = arith.constant 0 : i32
    %dma_start3A_5 = arith.constant 0 : i32
    %dma_start3A_6 = tpu.memref_slice %arg5[%dma_start3A, %dma_start3A_5] : memref<2x128xi32, #tpu.memory_space<vmem>> -> memref<1x128xi32, #tpu.memory_space<vmem>>
    %dma_start3A_7 = tpu.memref_squeeze %dma_start3A_6 : memref<1x128xi32, #tpu.memory_space<vmem>> -> memref<128xi32, #tpu.memory_space<vmem>>
    %dma_start3A_8 = arith.constant 0 : i32
    %dma_start3A_9 = arith.constant 0 : i32
    %dma_start3A_10 = tpu.memref_slice %arg2[%dma_start3A_8, %dma_start3A_9] : memref<24576x768xf32, #tpu.memory_space<hbm>> -> memref<24576x768xf32, #tpu.memory_space<hbm>>
    tpu.enqueue_indirect_dma source(%dma_start3A_10 : memref<24576x768xf32, #tpu.memory_space<hbm>>) target(%arg6 : memref<128x768xf32, #tpu.memory_space<vmem>>) offsets(%dma_start3A_7 : memref<128xi32, #tpu.memory_space<vmem>>) semaphore(%arg7 : memref<!tpu.dma_semaphore, #tpu.memory_space<semaphore_mem>>)
    %dma_wait3A = arith.constant 0 : i32
    %dma_wait3A_11 = arith.constant 0 : i32
    %dma_wait3A_12 = tpu.memref_slice %arg5[%dma_wait3A, %dma_wait3A_11] : memref<2x128xi32, #tpu.memory_space<vmem>> -> memref<1x128xi32, #tpu.memory_space<vmem>>
    %dma_wait3A_13 = tpu.memref_squeeze %dma_wait3A_12 : memref<1x128xi32, #tpu.memory_space<vmem>> -> memref<128xi32, #tpu.memory_space<vmem>>
    %dma_wait3A_14 = arith.constant 0 : i32
    %dma_wait3A_15 = arith.constant 0 : i32
    %dma_wait3A_16 = tpu.memref_slice %arg2[%dma_wait3A_14, %dma_wait3A_15] : memref<24576x768xf32, #tpu.memory_space<hbm>> -> memref<24576x768xf32, #tpu.memory_space<hbm>>
    tpu.wait_indirect_dma semaphore(%arg7 : memref<!tpu.dma_semaphore, #tpu.memory_space<semaphore_mem>>) src(%dma_wait3A_16 : memref<24576x768xf32, #tpu.memory_space<hbm>>) dst(%arg6 : memref<128x768xf32, #tpu.memory_space<vmem>>)
    %add3A_17 = arith.constant 0 : i32
    %add3A_18 = arith.addi %mul3A_2, %add3A_17 : i32
    "tpu.region"() ({
      %run_scoped3A = tpu.sem_alloc : memref<!tpu.dma_semaphore, #tpu.memory_space<semaphore_mem>>
      %dma_start3A_35 = arith.constant 0 : i32
      %dma_start3A_36 = tpu.memref_slice %arg4[%add3A_18, %dma_start3A_35] : memref<8192x768xf32, #tpu.memory_space<hbm>> -> memref<128x768xf32, #tpu.memory_space<hbm>>
      %dma_start3A_37 = arith.constant 0 : i32
      %dma_start3A_38 = tpu.memref_slice %arg4[%add3A_18, %dma_start3A_37] : memref<8192x768xf32, #tpu.memory_space<hbm>> -> memref<128x768xf32, #tpu.memory_space<hbm>>
      tpu.enqueue_dma source(%arg6 : memref<128x768xf32, #tpu.memory_space<vmem>>) target(%dma_start3A_38 : memref<128x768xf32, #tpu.memory_space<hbm>>) target_semaphore(%run_scoped3A : memref<!tpu.dma_semaphore, #tpu.memory_space<semaphore_mem>>)
      %dma_wait3A_39 = arith.constant 0 : i32
      %dma_wait3A_40 = tpu.memref_slice %arg4[%add3A_18, %dma_wait3A_39] : memref<8192x768xf32, #tpu.memory_space<hbm>> -> memref<128x768xf32, #tpu.memory_space<hbm>>
      %dma_wait3A_41 = arith.constant 0 : i32
      %dma_wait3A_42 = tpu.memref_slice %arg4[%add3A_18, %dma_wait3A_41] : memref<8192x768xf32, #tpu.memory_space<hbm>> -> memref<128x768xf32, #tpu.memory_space<hbm>>
      tpu.wait_dma2 semaphore(%run_scoped3A : memref<!tpu.dma_semaphore, #tpu.memory_space<semaphore_mem>>) src(%arg6 : memref<128x768xf32, #tpu.memory_space<vmem>>) dst(%dma_wait3A_42 : memref<128x768xf32, #tpu.memory_space<hbm>>)
      tpu.yield
    }) : () -> ()
    %dma_start3A_19 = arith.constant 1 : i32
    %dma_start3A_20 = arith.constant 0 : i32
    %dma_start3A_21 = tpu.memref_slice %arg5[%dma_start3A_19, %dma_start3A_20] : memref<2x128xi32, #tpu.memory_space<vmem>> -> memref<1x128xi32, #tpu.memory_space<vmem>>
    %dma_start3A_22 = tpu.memref_squeeze %dma_start3A_21 : memref<1x128xi32, #tpu.memory_space<vmem>> -> memref<128xi32, #tpu.memory_space<vmem>>
    %dma_start3A_23 = arith.constant 0 : i32
    %dma_start3A_24 = arith.constant 0 : i32
    %dma_start3A_25 = tpu.memref_slice %arg2[%dma_start3A_23, %dma_start3A_24] : memref<24576x768xf32, #tpu.memory_space<hbm>> -> memref<24576x768xf32, #tpu.memory_space<hbm>>
    tpu.enqueue_indirect_dma source(%dma_start3A_25 : memref<24576x768xf32, #tpu.memory_space<hbm>>) target(%arg6 : memref<128x768xf32, #tpu.memory_space<vmem>>) offsets(%dma_start3A_22 : memref<128xi32, #tpu.memory_space<vmem>>) semaphore(%arg7 : memref<!tpu.dma_semaphore, #tpu.memory_space<semaphore_mem>>)
    %dma_wait3A_26 = arith.constant 1 : i32
    %dma_wait3A_27 = arith.constant 0 : i32
    %dma_wait3A_28 = tpu.memref_slice %arg5[%dma_wait3A_26, %dma_wait3A_27] : memref<2x128xi32, #tpu.memory_space<vmem>> -> memref<1x128xi32, #tpu.memory_space<vmem>>
    %dma_wait3A_29 = tpu.memref_squeeze %dma_wait3A_28 : memref<1x128xi32, #tpu.memory_space<vmem>> -> memref<128xi32, #tpu.memory_space<vmem>>
    %dma_wait3A_30 = arith.constant 0 : i32
    %dma_wait3A_31 = arith.constant 0 : i32
    %dma_wait3A_32 = tpu.memref_slice %arg2[%dma_wait3A_30, %dma_wait3A_31] : memref<24576x768xf32, #tpu.memory_space<hbm>> -> memref<24576x768xf32, #tpu.memory_space<hbm>>
    tpu.wait_indirect_dma semaphore(%arg7 : memref<!tpu.dma_semaphore, #tpu.memory_space<semaphore_mem>>) src(%dma_wait3A_32 : memref<24576x768xf32, #tpu.memory_space<hbm>>) dst(%arg6 : memref<128x768xf32, #tpu.memory_space<vmem>>)
    %add3A_33 = arith.constant 128 : i32
    %add3A_34 = arith.addi %mul3A_2, %add3A_33 : i32
    "tpu.region"() ({
      %run_scoped3A = tpu.sem_alloc : memref<!tpu.dma_semaphore, #tpu.memory_space<semaphore_mem>>
      %dma_start3A_35 = arith.constant 0 : i32
      %dma_start3A_36 = tpu.memref_slice %arg4[%add3A_34, %dma_start3A_35] : memref<8192x768xf32, #tpu.memory_space<hbm>> -> memref<128x768xf32, #tpu.memory_space<hbm>>
      %dma_start3A_37 = arith.constant 0 : i32
      %dma_start3A_38 = tpu.memref_slice %arg4[%add3A_34, %dma_start3A_37] : memref<8192x768xf32, #tpu.memory_space<hbm>> -> memref<128x768xf32, #tpu.memory_space<hbm>>
      tpu.enqueue_dma source(%arg6 : memref<128x768xf32, #tpu.memory_space<vmem>>) target(%dma_start3A_38 : memref<128x768xf32, #tpu.memory_space<hbm>>) target_semaphore(%run_scoped3A : memref<!tpu.dma_semaphore, #tpu.memory_space<semaphore_mem>>)
      %dma_wait3A_39 = arith.constant 0 : i32
      %dma_wait3A_40 = tpu.memref_slice %arg4[%add3A_34, %dma_wait3A_39] : memref<8192x768xf32, #tpu.memory_space<hbm>> -> memref<128x768xf32, #tpu.memory_space<hbm>>
      %dma_wait3A_41 = arith.constant 0 : i32
      %dma_wait3A_42 = tpu.memref_slice %arg4[%add3A_34, %dma_wait3A_41] : memref<8192x768xf32, #tpu.memory_space<hbm>> -> memref<128x768xf32, #tpu.memory_space<hbm>>
      tpu.wait_dma2 semaphore(%run_scoped3A : memref<!tpu.dma_semaphore, #tpu.memory_space<semaphore_mem>>) src(%arg6 : memref<128x768xf32, #tpu.memory_space<vmem>>) dst(%dma_wait3A_42 : memref<128x768xf32, #tpu.memory_space<hbm>>)
      tpu.yield
    }) : () -> ()
    return
  }
}

module attributes {stable_mosaic.version = 14 : i64} {
  func.func @_route_kernel(%arg0: i32, %arg1: memref<2048x768xf32, #tpu.memory_space<vmem>>, %arg2: memref<96x768xf32, #tpu.memory_space<vmem>>, %arg3: memref<64xf32, #tpu.memory_space<vmem>>, %arg4: memref<2048x64xf32, #tpu.memory_space<vmem>>, %arg5: memref<32xf32, #tpu.memory_space<vmem>>, %arg6: memref<2048x128xf32, #tpu.memory_space<vmem>>, %arg7: memref<8192x1xi32, #tpu.memory_space<vmem>>, %arg8: memref<96x1xi32, #tpu.memory_space<vmem>>, %arg9: memref<1x1xi32, #tpu.memory_space<vmem>>, %arg10: memref<8192x1xi32, #tpu.memory_space<vmem>>) attributes {dimension_semantics = [#tpu.dimension_semantics<arbitrary>], iteration_bounds = array<i64: 5>, scalar_prefetch = 0 : i64, scratch_operands = 1 : i64, tpu.core_type = #tpu.core_type<tc>, window_params = [{transform_indices = @transform_0, window_bounds = array<i64: 2048, 768>}, {pipeline_mode = #tpu.pipeline_mode<synchronous>, transform_indices = @transform_1, window_bounds = array<i64: 96, 768>}, {pipeline_mode = #tpu.pipeline_mode<synchronous>, transform_indices = @transform_2, window_bounds = array<i64: 64>}, {transform_indices = @transform_3, window_bounds = array<i64: 2048, 64>}, {pipeline_mode = #tpu.pipeline_mode<synchronous>, transform_indices = @transform_4, window_bounds = array<i64: 32>}, {transform_indices = @transform_5, window_bounds = array<i64: 2048, 128>}, {pipeline_mode = #tpu.pipeline_mode<synchronous>, transform_indices = @transform_6, window_bounds = array<i64: 8192, 1>}, {pipeline_mode = #tpu.pipeline_mode<synchronous>, transform_indices = @transform_7, window_bounds = array<i64: 96, 1>}, {pipeline_mode = #tpu.pipeline_mode<synchronous>, transform_indices = @transform_8, window_bounds = array<i64: 1, 1>}]} {
    %lt3A = arith.constant 4 : i32
    %lt3A_0 = arith.cmpi slt, %arg0, %lt3A : i32
    %convert_element_type3A = arith.extui %lt3A_0 : i1 to i32
    %cond3A = arith.constant 0 : i32
    %cond3A_1 = arith.cmpi ne, %convert_element_type3A, %cond3A : i32
    scf.if %cond3A_1 {
      %get3A = arith.constant 0 : index
      %get3A_6 = arith.constant 0 : index
      %get3A_7 = vector.load %arg1[%get3A, %get3A_6] : memref<2048x768xf32, #tpu.memory_space<vmem>>, vector<2048x768xf32>
      %get3A_8 = arith.constant 0 : index
      %get3A_9 = arith.constant 0 : index
      %get3A_10 = vector.load %arg2[%get3A_8, %get3A_9] : memref<96x768xf32, #tpu.memory_space<vmem>>, vector<96x768xf32>
      %dot_general3A = arith.constant dense<0.000000e+00> : vector<2048x96xf32>
      %dot_general3A_11 = tpu.matmul %get3A_7, %get3A_10, %dot_general3A {dimension_numbers = #tpu.dot_dimension_numbers<[1], [1], [0], [0], [0, 0, 1, 0], [], []>, transpose_lhs_hint = false} : vector<2048x768xf32>, vector<96x768xf32>, vector<2048x96xf32> -> vector<2048x96xf32>
      %get3A_12 = arith.constant 0 : index
      %get3A_13 = arith.constant 0 : index
      %get3A_14 = vector.load %arg4[%get3A_12, %get3A_13] : memref<2048x64xf32, #tpu.memory_space<vmem>>, vector<2048x64xf32>
      %slice3A = vector.extract_strided_slice %dot_general3A_11 {offsets = [0, 0], sizes = [2048, 64], strides = [1, 1]} : vector<2048x96xf32> to vector<2048x64xf32>
      %get3A_15 = arith.constant 0 : index
      %get3A_16 = vector.load %arg3[%get3A_15] : memref<64xf32, #tpu.memory_space<vmem>>, vector<64xf32>
      %broadcast_in_dim3A = vector.shape_cast %get3A_16 : vector<64xf32> to vector<1x64xf32>
      %add3A = vector.broadcast %broadcast_in_dim3A : vector<1x64xf32> to vector<2048x64xf32>
      %add3A_17 = arith.addf %slice3A, %add3A : vector<2048x64xf32>
      %add3A_18 = arith.addf %get3A_14, %add3A_17 : vector<2048x64xf32>
      %argmax3A = tpu.reduce_index %add3A_18 {axis = 1 : i32, kind = #tpu.reduction_kind<arg_max>} : vector<2048x64xf32> -> vector<2048xi32>
      %broadcast_in_dim3A_19 = vector.shape_cast %argmax3A : vector<2048xi32> to vector<2048x1xi32>
      %mul3A = arith.constant 2048 : i32
      %mul3A_20 = arith.muli %arg0, %mul3A : i32
      %swap3A = arith.index_cast %mul3A_20 : i32 to index
      %swap3A_21 = arith.constant 0 : index
      %swap3A_22 = vector.load %arg10[%swap3A, %swap3A_21] : memref<8192x1xi32, #tpu.memory_space<vmem>>, vector<2048x1xi32>
      tpu.vector_store %arg10[%swap3A, %swap3A_21], %broadcast_in_dim3A_19 {strides = array<i32>} : memref<8192x1xi32, #tpu.memory_space<vmem>>, vector<2048x1xi32>,
      %slice3A_23 = vector.extract_strided_slice %dot_general3A_11 {offsets = [0, 64], sizes = [2048, 32], strides = [1, 1]} : vector<2048x96xf32> to vector<2048x32xf32>
      %get3A_24 = arith.constant 0 : index
      %get3A_25 = vector.load %arg5[%get3A_24] : memref<32xf32, #tpu.memory_space<vmem>>, vector<32xf32>
      %broadcast_in_dim3A_26 = vector.shape_cast %get3A_25 : vector<32xf32> to vector<1x32xf32>
      %add3A_27 = vector.broadcast %broadcast_in_dim3A_26 : vector<1x32xf32> to vector<2048x32xf32>
      %add3A_28 = arith.addf %slice3A_23, %add3A_27 : vector<2048x32xf32>
      %max3A = arith.constant 0.000000e+00 : f32
      %max3A_29 = vector.broadcast %max3A : f32 to vector<2048x32xf32>
      %max3A_30 = arith.maximumf %add3A_28, %max3A_29 : vector<2048x32xf32>
      %broadcast_in_dim3A_31 = arith.constant 0.000000e+00 : f32
      %broadcast_in_dim3A_32 = vector.broadcast %broadcast_in_dim3A_31 : f32 to vector<2048x96xf32>
      %concatenate3A = tpu.concatenate %max3A_30, %broadcast_in_dim3A_32 in 1 : vector<2048x32xf32>, vector<2048x96xf32> -> vector<2048x128xf32>
      %swap3A_33 = arith.constant 0 : index
      %swap3A_34 = arith.constant 0 : index
      %swap3A_35 = vector.load %arg6[%swap3A_33, %swap3A_34] : memref<2048x128xf32, #tpu.memory_space<vmem>>, vector<2048x128xf32>
      tpu.vector_store %arg6[%swap3A_33, %swap3A_34], %concatenate3A {strides = array<i32>} : memref<2048x128xf32, #tpu.memory_space<vmem>>, vector<2048x128xf32>,
    } else {
    }
    %eq3A = arith.constant 4 : i32
    %eq3A_2 = arith.cmpi eq, %arg0, %eq3A : i32
    %convert_element_type3A_3 = arith.extui %eq3A_2 : i1 to i32
    %cond3A_4 = arith.constant 0 : i32
    %cond3A_5 = arith.cmpi ne, %convert_element_type3A_3, %cond3A_4 : i32
    scf.if %cond3A_5 {
      %iota3A = tpu.iota {dimensions = array<i32: 1>} : vector<512x64xi32>
      %broadcast_in_dim3A = arith.constant 0.000000e+00 : f32
      %broadcast_in_dim3A_6 = vector.broadcast %broadcast_in_dim3A : f32 to vector<1x64xf32>
      %scan3A = arith.constant 0 : i32
      %scan3A_7 = arith.constant 16 : i32
      %scan3A_8 = arith.addi %scan3A, %scan3A_7 : i32
      %scan3A_9 = arith.constant 1 : i32
      %scan3A_10 = scf.for %scan3A_184 = %scan3A to %scan3A_8 step %scan3A_9 iter_args(%scan3A_185 = %broadcast_in_dim3A_6) -> (vector<1x64xf32>)  : i32 {
        %mul3A_186 = arith.constant 512 : i32
        %mul3A_187 = arith.muli %scan3A_184, %mul3A_186 : i32
        %get3A = arith.index_cast %mul3A_187 : i32 to index
        %get3A_188 = arith.constant 0 : index
        %get3A_189 = vector.load %arg10[%get3A, %get3A_188] : memref<8192x1xi32, #tpu.memory_space<vmem>>, vector<512x1xi32>
        %eq3A_190 = vector.broadcast %get3A_189 : vector<512x1xi32> to vector<512x64xi32>
        %eq3A_191 = arith.cmpi eq, %eq3A_190, %iota3A : vector<512x64xi32>
        %convert_element_type3A_192 = arith.extui %eq3A_191 : vector<512x64xi1> to vector<512x64xi32>
        %convert_element_type3A_193 = arith.sitofp %convert_element_type3A_192 : vector<512x64xi32> to vector<512x64xf32>
        %reduce_sum3A_194 = arith.constant dense<0.000000e+00> : vector<64xf32>
        %reduce_sum3A_195 = vector.multi_reduction <add>, %convert_element_type3A_193, %reduce_sum3A_194 [0] : vector<512x64xf32> to vector<64xf32>
        %broadcast_in_dim3A_196 = vector.shape_cast %reduce_sum3A_195 : vector<64xf32> to vector<1x64xf32>
        %add3A_197 = arith.addf %scan3A_185, %broadcast_in_dim3A_196 : vector<1x64xf32>
        scf.yield %add3A_197 : vector<1x64xf32>
      }
      %scan3A_11 = arith.constant 16 : i32
      %convert_element_type3A_12 = arith.fptosi %scan3A_10 : vector<1x64xf32> to vector<1x64xi32>
      %add3A = arith.constant 255 : i32
      %add3A_13 = vector.broadcast %add3A : i32 to vector<1x64xi32>
      %add3A_14 = arith.addi %convert_element_type3A_12, %add3A_13 : vector<1x64xi32>
      %jit3A = arith.constant 256 : i32
      %div3A = vector.broadcast %jit3A : i32 to vector<1x64xi32>
      %div3A_15 = arith.divsi %add3A_14, %div3A : vector<1x64xi32>
      %sign3A = arith.constant 0 : i32
      %sign3A_16 = vector.broadcast %sign3A : i32 to vector<1x64xi32>
      %sign3A_17 = arith.cmpi sgt, %add3A_14, %sign3A_16 : vector<1x64xi32>
      %sign3A_18 = arith.extui %sign3A_17 : vector<1x64xi1> to vector<1x64xi32>
      %sign3A_19 = arith.constant 0 : i32
      %sign3A_20 = vector.broadcast %sign3A_19 : i32 to vector<1x64xi32>
      %sign3A_21 = arith.cmpi slt, %add3A_14, %sign3A_20 : vector<1x64xi32>
      %sign3A_22 = arith.extui %sign3A_21 : vector<1x64xi1> to vector<1x64xi32>
      %sign3A_23 = arith.subi %sign3A_18, %sign3A_22 : vector<1x64xi32>
      %sign3A_24 = arith.constant 0 : i32
      %sign3A_25 = arith.cmpi sgt, %jit3A, %sign3A_24 : i32
      %sign3A_26 = arith.extui %sign3A_25 : i1 to i32
      %sign3A_27 = arith.constant 0 : i32
      %sign3A_28 = arith.cmpi slt, %jit3A, %sign3A_27 : i32
      %sign3A_29 = arith.extui %sign3A_28 : i1 to i32
      %sign3A_30 = arith.subi %sign3A_26, %sign3A_29 : i32
      %ne3A = vector.broadcast %sign3A_30 : i32 to vector<1x64xi32>
      %ne3A_31 = arith.cmpi ne, %sign3A_23, %ne3A : vector<1x64xi32>
      %rem3A = vector.broadcast %jit3A : i32 to vector<1x64xi32>
      %rem3A_32 = arith.remsi %add3A_14, %rem3A : vector<1x64xi32>
      %ne3A_33 = arith.constant 0 : i32
      %ne3A_34 = vector.broadcast %ne3A_33 : i32 to vector<1x64xi32>
      %ne3A_35 = arith.cmpi ne, %rem3A_32, %ne3A_34 : vector<1x64xi32>
      %and3A = arith.andi %ne3A_31, %ne3A_35 : vector<1x64xi1>
      %sub3A = arith.constant 1 : i32
      %sub3A_36 = vector.broadcast %sub3A : i32 to vector<1x64xi32>
      %sub3A_37 = arith.subi %div3A_15, %sub3A_36 : vector<1x64xi32>
      %select_n3A = arith.select %and3A, %sub3A_37, %div3A_15 : vector<1x64xi1>, vector<1x64xi32>
      %mul3A = arith.constant 256 : i32
      %mul3A_38 = vector.broadcast %mul3A : i32 to vector<1x64xi32>
      %mul3A_39 = arith.muli %select_n3A, %mul3A_38 : vector<1x64xi32>
      %convert_element_type3A_40 = arith.sitofp %mul3A_39 : vector<1x64xi32> to vector<1x64xf32>
      %iota3A_41 = tpu.iota {dimensions = array<i32: 0>} : vector<64x64xi32>
      %iota3A_42 = tpu.iota {dimensions = array<i32: 1>} : vector<64x64xi32>
      %lt3A_43 = arith.cmpi slt, %iota3A_41, %iota3A_42 : vector<64x64xi32>
      %convert_element_type3A_44 = arith.extui %lt3A_43 : vector<64x64xi1> to vector<64x64xi32>
      %convert_element_type3A_45 = arith.sitofp %convert_element_type3A_44 : vector<64x64xi32> to vector<64x64xf32>
      %dot_general3A = arith.constant dense<0.000000e+00> : vector<1x64xf32>
      %dot_general3A_46 = tpu.matmul %convert_element_type3A_40, %convert_element_type3A_45, %dot_general3A {dimension_numbers = #tpu.dot_dimension_numbers<[1], [0], [0], [1], [0, 0, 1, 1], [], []>, precision = #tpu.contract_precision<fp32>, transpose_lhs_hint = false} : vector<1x64xf32>, vector<64x64xf32>, vector<1x64xf32> -> vector<1x64xf32>
      %reduce_sum3A = vector.shape_cast %mul3A_39 : vector<1x64xi32> to vector<1x1x64xi32>
      %reduce_sum3A_47 = arith.constant dense<0> : vector<1xi32>
      %reduce_sum3A_48 = vector.multi_reduction <add>, %reduce_sum3A, %reduce_sum3A_47 [1, 2] : vector<1x1x64xi32> to vector<1xi32>
      %reduce_sum3A_49 = vector.shape_cast %reduce_sum3A_48 : vector<1xi32> to vector<1x1x1xi32>
      %reduce_sum3A_50 = vector.extract %reduce_sum3A_49[0, 0, 0] : i32 from vector<1x1x1xi32>
      %jit3A_51 = arith.constant 256 : i32
      %div3A_52 = arith.divsi %reduce_sum3A_50, %jit3A_51 : i32
      %sign3A_53 = arith.constant 0 : i32
      %sign3A_54 = arith.cmpi sgt, %reduce_sum3A_50, %sign3A_53 : i32
      %sign3A_55 = arith.extui %sign3A_54 : i1 to i32
      %sign3A_56 = arith.constant 0 : i32
      %sign3A_57 = arith.cmpi slt, %reduce_sum3A_50, %sign3A_56 : i32
      %sign3A_58 = arith.extui %sign3A_57 : i1 to i32
      %sign3A_59 = arith.subi %sign3A_55, %sign3A_58 : i32
      %sign3A_60 = arith.constant 0 : i32
      %sign3A_61 = arith.cmpi sgt, %jit3A_51, %sign3A_60 : i32
      %sign3A_62 = arith.extui %sign3A_61 : i1 to i32
      %sign3A_63 = arith.constant 0 : i32
      %sign3A_64 = arith.cmpi slt, %jit3A_51, %sign3A_63 : i32
      %sign3A_65 = arith.extui %sign3A_64 : i1 to i32
      %sign3A_66 = arith.subi %sign3A_62, %sign3A_65 : i32
      %ne3A_67 = arith.cmpi ne, %sign3A_59, %sign3A_66 : i32
      %rem3A_68 = arith.remsi %reduce_sum3A_50, %jit3A_51 : i32
      %ne3A_69 = arith.constant 0 : i32
      %ne3A_70 = arith.cmpi ne, %rem3A_68, %ne3A_69 : i32
      %and3A_71 = arith.andi %ne3A_67, %ne3A_70 : i1
      %sub3A_72 = arith.constant 1 : i32
      %sub3A_73 = arith.subi %div3A_52, %sub3A_72 : i32
      %select_n3A_74 = arith.select %and3A_71, %sub3A_73, %div3A_52 : i32
      %iota3A_75 = tpu.iota {dimensions = array<i32: 1>} : vector<512x512xi32>
      %iota3A_76 = tpu.iota {dimensions = array<i32: 0>} : vector<512x512xi32>
      %lt3A_77 = arith.cmpi slt, %iota3A_75, %iota3A_76 : vector<512x512xi32>
      %convert_element_type3A_78 = arith.extui %lt3A_77 : vector<512x512xi1> to vector<512x512xi32>
      %convert_element_type3A_79 = arith.sitofp %convert_element_type3A_78 : vector<512x512xi32> to vector<512x512xf32>
      %broadcast_in_dim3A_80 = arith.constant 0.000000e+00 : f32
      %broadcast_in_dim3A_81 = vector.broadcast %broadcast_in_dim3A_80 : f32 to vector<1x64xf32>
      %scan3A_82 = arith.constant 0 : i32
      %scan3A_83 = arith.constant 16 : i32
      %scan3A_84 = arith.addi %scan3A_82, %scan3A_83 : i32
      %scan3A_85 = arith.constant 1 : i32
      %scan3A_86 = scf.for %scan3A_184 = %scan3A_82 to %scan3A_84 step %scan3A_85 iter_args(%scan3A_185 = %broadcast_in_dim3A_81) -> (vector<1x64xf32>)  : i32 {
        %mul3A_186 = arith.constant 512 : i32
        %mul3A_187 = arith.muli %scan3A_184, %mul3A_186 : i32
        %get3A = arith.index_cast %mul3A_187 : i32 to index
        %get3A_188 = arith.constant 0 : index
        %get3A_189 = vector.load %arg10[%get3A, %get3A_188] : memref<8192x1xi32, #tpu.memory_space<vmem>>, vector<512x1xi32>
        %eq3A_190 = vector.broadcast %get3A_189 : vector<512x1xi32> to vector<512x64xi32>
        %eq3A_191 = arith.cmpi eq, %eq3A_190, %iota3A : vector<512x64xi32>
        %convert_element_type3A_192 = arith.extui %eq3A_191 : vector<512x64xi1> to vector<512x64xi32>
        %convert_element_type3A_193 = arith.sitofp %convert_element_type3A_192 : vector<512x64xi32> to vector<512x64xf32>
        %dot_general3A_194 = arith.constant dense<0.000000e+00> : vector<512x64xf32>
        %dot_general3A_195 = tpu.matmul %convert_element_type3A_79, %convert_element_type3A_193, %dot_general3A_194 {dimension_numbers = #tpu.dot_dimension_numbers<[1], [0], [0], [1], [0, 0, 1, 1], [], []>, transpose_lhs_hint = false} : vector<512x512xf32>, vector<512x64xf32>, vector<512x64xf32> -> vector<512x64xf32>
        %add3A_196 = arith.addf %dot_general3A_46, %scan3A_185 : vector<1x64xf32>
        %add3A_197 = vector.broadcast %add3A_196 : vector<1x64xf32> to vector<512x64xf32>
        %add3A_198 = arith.addf %add3A_197, %dot_general3A_195 : vector<512x64xf32>
        %mul3A_199 = arith.mulf %add3A_198, %convert_element_type3A_193 : vector<512x64xf32>
        %reduce_sum3A_200 = arith.constant dense<0.000000e+00> : vector<512xf32>
        %reduce_sum3A_201 = vector.multi_reduction <add>, %mul3A_199, %reduce_sum3A_200 [1] : vector<512x64xf32> to vector<512xf32>
        %broadcast_in_dim3A_202 = vector.shape_cast %reduce_sum3A_201 : vector<512xf32> to vector<512x1xf32>
        %convert_element_type3A_203 = arith.fptosi %broadcast_in_dim3A_202 : vector<512x1xf32> to vector<512x1xi32>
        %mul3A_204 = arith.constant 512 : i32
        %mul3A_205 = arith.muli %scan3A_184, %mul3A_204 : i32
        %swap3A_206 = arith.index_cast %mul3A_205 : i32 to index
        %swap3A_207 = arith.constant 0 : index
        %swap3A_208 = vector.load %arg7[%swap3A_206, %swap3A_207] : memref<8192x1xi32, #tpu.memory_space<vmem>>, vector<512x1xi32>
        tpu.vector_store %arg7[%swap3A_206, %swap3A_207], %convert_element_type3A_203 {strides = array<i32>} : memref<8192x1xi32, #tpu.memory_space<vmem>>, vector<512x1xi32>,
        %reduce_sum3A_209 = arith.constant dense<0.000000e+00> : vector<64xf32>
        %reduce_sum3A_210 = vector.multi_reduction <add>, %convert_element_type3A_193, %reduce_sum3A_209 [0] : vector<512x64xf32> to vector<64xf32>
        %broadcast_in_dim3A_211 = vector.shape_cast %reduce_sum3A_210 : vector<64xf32> to vector<1x64xf32>
        %add3A_212 = arith.addf %scan3A_185, %broadcast_in_dim3A_211 : vector<1x64xf32>
        scf.yield %add3A_212 : vector<1x64xf32>
      }
      %scan3A_87 = arith.constant 16 : i32
      %convert_element_type3A_88 = arith.fptosi %dot_general3A_46 : vector<1x64xf32> to vector<1x64xi32>
      %jit3A_89 = arith.constant 256 : i32
      %div3A_90 = vector.broadcast %jit3A_89 : i32 to vector<1x64xi32>
      %div3A_91 = arith.divsi %convert_element_type3A_88, %div3A_90 : vector<1x64xi32>
      %sign3A_92 = arith.constant 0 : i32
      %sign3A_93 = vector.broadcast %sign3A_92 : i32 to vector<1x64xi32>
      %sign3A_94 = arith.cmpi sgt, %convert_element_type3A_88, %sign3A_93 : vector<1x64xi32>
      %sign3A_95 = arith.extui %sign3A_94 : vector<1x64xi1> to vector<1x64xi32>
      %sign3A_96 = arith.constant 0 : i32
      %sign3A_97 = vector.broadcast %sign3A_96 : i32 to vector<1x64xi32>
      %sign3A_98 = arith.cmpi slt, %convert_element_type3A_88, %sign3A_97 : vector<1x64xi32>
      %sign3A_99 = arith.extui %sign3A_98 : vector<1x64xi1> to vector<1x64xi32>
      %sign3A_100 = arith.subi %sign3A_95, %sign3A_99 : vector<1x64xi32>
      %sign3A_101 = arith.constant 0 : i32
      %sign3A_102 = arith.cmpi sgt, %jit3A_89, %sign3A_101 : i32
      %sign3A_103 = arith.extui %sign3A_102 : i1 to i32
      %sign3A_104 = arith.constant 0 : i32
      %sign3A_105 = arith.cmpi slt, %jit3A_89, %sign3A_104 : i32
      %sign3A_106 = arith.extui %sign3A_105 : i1 to i32
      %sign3A_107 = arith.subi %sign3A_103, %sign3A_106 : i32
      %ne3A_108 = vector.broadcast %sign3A_107 : i32 to vector<1x64xi32>
      %ne3A_109 = arith.cmpi ne, %sign3A_100, %ne3A_108 : vector<1x64xi32>
      %rem3A_110 = vector.broadcast %jit3A_89 : i32 to vector<1x64xi32>
      %rem3A_111 = arith.remsi %convert_element_type3A_88, %rem3A_110 : vector<1x64xi32>
      %ne3A_112 = arith.constant 0 : i32
      %ne3A_113 = vector.broadcast %ne3A_112 : i32 to vector<1x64xi32>
      %ne3A_114 = arith.cmpi ne, %rem3A_111, %ne3A_113 : vector<1x64xi32>
      %and3A_115 = arith.andi %ne3A_109, %ne3A_114 : vector<1x64xi1>
      %sub3A_116 = arith.constant 1 : i32
      %sub3A_117 = vector.broadcast %sub3A_116 : i32 to vector<1x64xi32>
      %sub3A_118 = arith.subi %div3A_91, %sub3A_117 : vector<1x64xi32>
      %select_n3A_119 = arith.select %and3A_115, %sub3A_118, %div3A_91 : vector<1x64xi1>, vector<1x64xi32>
      %jit3A_120 = arith.constant 256 : i32
      %div3A_121 = vector.broadcast %jit3A_120 : i32 to vector<1x64xi32>
      %div3A_122 = arith.divsi %mul3A_39, %div3A_121 : vector<1x64xi32>
      %sign3A_123 = arith.constant 0 : i32
      %sign3A_124 = vector.broadcast %sign3A_123 : i32 to vector<1x64xi32>
      %sign3A_125 = arith.cmpi sgt, %mul3A_39, %sign3A_124 : vector<1x64xi32>
      %sign3A_126 = arith.extui %sign3A_125 : vector<1x64xi1> to vector<1x64xi32>
      %sign3A_127 = arith.constant 0 : i32
      %sign3A_128 = vector.broadcast %sign3A_127 : i32 to vector<1x64xi32>
      %sign3A_129 = arith.cmpi slt, %mul3A_39, %sign3A_128 : vector<1x64xi32>
      %sign3A_130 = arith.extui %sign3A_129 : vector<1x64xi1> to vector<1x64xi32>
      %sign3A_131 = arith.subi %sign3A_126, %sign3A_130 : vector<1x64xi32>
      %sign3A_132 = arith.constant 0 : i32
      %sign3A_133 = arith.cmpi sgt, %jit3A_120, %sign3A_132 : i32
      %sign3A_134 = arith.extui %sign3A_133 : i1 to i32
      %sign3A_135 = arith.constant 0 : i32
      %sign3A_136 = arith.cmpi slt, %jit3A_120, %sign3A_135 : i32
      %sign3A_137 = arith.extui %sign3A_136 : i1 to i32
      %sign3A_138 = arith.subi %sign3A_134, %sign3A_137 : i32
      %ne3A_139 = vector.broadcast %sign3A_138 : i32 to vector<1x64xi32>
      %ne3A_140 = arith.cmpi ne, %sign3A_131, %ne3A_139 : vector<1x64xi32>
      %rem3A_141 = vector.broadcast %jit3A_120 : i32 to vector<1x64xi32>
      %rem3A_142 = arith.remsi %mul3A_39, %rem3A_141 : vector<1x64xi32>
      %ne3A_143 = arith.constant 0 : i32
      %ne3A_144 = vector.broadcast %ne3A_143 : i32 to vector<1x64xi32>
      %ne3A_145 = arith.cmpi ne, %rem3A_142, %ne3A_144 : vector<1x64xi32>
      %and3A_146 = arith.andi %ne3A_140, %ne3A_145 : vector<1x64xi1>
      %sub3A_147 = arith.constant 1 : i32
      %sub3A_148 = vector.broadcast %sub3A_147 : i32 to vector<1x64xi32>
      %sub3A_149 = arith.subi %div3A_122, %sub3A_148 : vector<1x64xi32>
      %select_n3A_150 = arith.select %and3A_146, %sub3A_149, %div3A_122 : vector<1x64xi1>, vector<1x64xi32>
      %iota3A_151 = tpu.iota {dimensions = array<i32: 0>} : vector<96x64xi32>
      %iota3A_152 = tpu.iota {dimensions = array<i32: 1>} : vector<96x64xi32>
      %ge3A = vector.broadcast %select_n3A_119 : vector<1x64xi32> to vector<96x64xi32>
      %ge3A_153 = arith.cmpi sge, %iota3A_151, %ge3A : vector<96x64xi32>
      %add3A_154 = arith.addi %select_n3A_119, %select_n3A_150 : vector<1x64xi32>
      %lt3A_155 = vector.broadcast %add3A_154 : vector<1x64xi32> to vector<96x64xi32>
      %lt3A_156 = arith.cmpi slt, %iota3A_151, %lt3A_155 : vector<96x64xi32>
      %and3A_157 = arith.andi %ge3A_153, %lt3A_156 : vector<96x64xi1>
      %jit3A_158 = arith.constant 0 : i32
      %broadcast_in_dim3A_159 = vector.broadcast %jit3A_158 : i32 to vector<96x64xi32>
      %select_n3A_160 = arith.select %and3A_157, %iota3A_152, %broadcast_in_dim3A_159 : vector<96x64xi1>, vector<96x64xi32>
      %reduce_sum3A_161 = arith.constant dense<0> : vector<96xi32>
      %reduce_sum3A_162 = vector.multi_reduction <add>, %select_n3A_160, %reduce_sum3A_161 [1] : vector<96x64xi32> to vector<96xi32>
      %broadcast_in_dim3A_163 = vector.shape_cast %reduce_sum3A_162 : vector<96xi32> to vector<96x1xi32>
      %gt3A = arith.constant 0 : i32
      %gt3A_164 = vector.broadcast %gt3A : i32 to vector<1x64xi32>
      %gt3A_165 = arith.cmpi sgt, %select_n3A_150, %gt3A_164 : vector<1x64xi32>
      %slice3A = vector.extract_strided_slice %iota3A_152 {offsets = [0, 0], sizes = [1, 64], strides = [1, 1]} : vector<96x64xi32> to vector<1x64xi32>
      %jit3A_166 = arith.constant -1 : i32
      %broadcast_in_dim3A_167 = vector.broadcast %jit3A_166 : i32 to vector<1x64xi32>
      %select_n3A_168 = arith.select %gt3A_165, %slice3A, %broadcast_in_dim3A_167 : vector<1x64xi1>, vector<1x64xi32>
      %reduce_max3A = vector.shape_cast %select_n3A_168 : vector<1x64xi32> to vector<1x1x64xi32>
      %reduce_max3A_169 = arith.constant dense<-2147483648> : vector<1xi32>
      %reduce_max3A_170 = vector.multi_reduction <maxsi>, %reduce_max3A, %reduce_max3A_169 [1, 2] : vector<1x1x64xi32> to vector<1xi32>
      %reduce_max3A_171 = vector.shape_cast %reduce_max3A_170 : vector<1xi32> to vector<1x1x1xi32>
      %reduce_max3A_172 = vector.extract %reduce_max3A_171[0, 0, 0] : i32 from vector<1x1x1xi32>
      %iota3A_173 = tpu.iota {dimensions = array<i32: 0>} : vector<96x1xi32>
      %lt3A_174 = vector.broadcast %select_n3A_74 : i32 to vector<96x1xi32>
      %lt3A_175 = arith.cmpi slt, %iota3A_173, %lt3A_174 : vector<96x1xi32>
      %broadcast_in_dim3A_176 = vector.broadcast %reduce_max3A_172 : i32 to vector<96x1xi32>
      %select_n3A_177 = arith.select %lt3A_175, %broadcast_in_dim3A_163, %broadcast_in_dim3A_176 : vector<96x1xi1>, vector<96x1xi32>
      %swap3A = arith.constant 0 : index
      %swap3A_178 = arith.constant 0 : index
      %swap3A_179 = vector.load %arg8[%swap3A, %swap3A_178] : memref<96x1xi32, #tpu.memory_space<vmem>>, vector<96x1xi32>
      tpu.vector_store %arg8[%swap3A, %swap3A_178], %select_n3A_177 {strides = array<i32>} : memref<96x1xi32, #tpu.memory_space<vmem>>, vector<96x1xi32>,
      %broadcast_in_dim3A_180 = vector.broadcast %select_n3A_74 : i32 to vector<1x1xi32>
      %swap3A_181 = arith.constant 0 : index
      %swap3A_182 = arith.constant 0 : index
      %swap3A_183 = vector.load %arg9[%swap3A_181, %swap3A_182] : memref<1x1xi32, #tpu.memory_space<vmem>>, vector<1x1xi32>
      tpu.vector_store %arg9[%swap3A_181, %swap3A_182], %broadcast_in_dim3A_180 {strides = array<i32>} : memref<1x1xi32, #tpu.memory_space<vmem>>, vector<1x1xi32>,
    } else {
    }
    return
  }
  func.func @transform_0(%arg0: i32) -> (i32, i32) {
    %min3A = arith.constant 3 : i32
    %min3A_0 = arith.minsi %arg0, %min3A : i32
    %c0_i32 = arith.constant 0 : i32
    %c0_i32_1 = arith.constant 0 : i32
    return %min3A_0, %c0_i32 : i32, i32
  }
  func.func @transform_1(%arg0: i32) -> (i32, i32) {
    %c0_i32 = arith.constant 0 : i32
    %c0_i32_0 = arith.constant 0 : i32
    %c0_i32_1 = arith.constant 0 : i32
    return %c0_i32, %c0_i32_0 : i32, i32
  }
  func.func @transform_2(%arg0: i32) -> i32 {
    %c0_i32 = arith.constant 0 : i32
    %c0_i32_0 = arith.constant 0 : i32
    return %c0_i32 : i32
  }
  func.func @transform_3(%arg0: i32) -> (i32, i32) {
    %min3A = arith.constant 3 : i32
    %min3A_0 = arith.minsi %arg0, %min3A : i32
    %c0_i32 = arith.constant 0 : i32
    %c0_i32_1 = arith.constant 0 : i32
    return %min3A_0, %c0_i32 : i32, i32
  }
  func.func @transform_4(%arg0: i32) -> i32 {
    %c0_i32 = arith.constant 0 : i32
    %c0_i32_0 = arith.constant 0 : i32
    return %c0_i32 : i32
  }
  func.func @transform_5(%arg0: i32) -> (i32, i32) {
    %min3A = arith.constant 3 : i32
    %min3A_0 = arith.minsi %arg0, %min3A : i32
    %c0_i32 = arith.constant 0 : i32
    %c0_i32_1 = arith.constant 0 : i32
    return %min3A_0, %c0_i32 : i32, i32
  }
  func.func @transform_6(%arg0: i32) -> (i32, i32) {
    %c0_i32 = arith.constant 0 : i32
    %c0_i32_0 = arith.constant 0 : i32
    %c0_i32_1 = arith.constant 0 : i32
    return %c0_i32, %c0_i32_0 : i32, i32
  }
  func.func @transform_7(%arg0: i32) -> (i32, i32) {
    %c0_i32 = arith.constant 0 : i32
    %c0_i32_0 = arith.constant 0 : i32
    %c0_i32_1 = arith.constant 0 : i32
    return %c0_i32, %c0_i32_0 : i32, i32
  }
  func.func @transform_8(%arg0: i32) -> (i32, i32) {
    %c0_i32 = arith.constant 0 : i32
    %c0_i32_0 = arith.constant 0 : i32
    %c0_i32_1 = arith.constant 0 : i32
    return %c0_i32, %c0_i32_0 : i32, i32
  }
}

module attributes {stable_mosaic.version = 14 : i64} {
  func.func @_ffn_kernel(%arg0: i32, %arg1: memref<96xi32, #tpu.memory_space<smem>>, %arg2: memref<1xi32, #tpu.memory_space<smem>>, %arg3: memref<256x128xf32, #tpu.memory_space<vmem>>, %arg4: memref<1x768x32xf32, #tpu.memory_space<vmem>>, %arg5: memref<1x1x768xf32, #tpu.memory_space<vmem>>, %arg6: memref<1x768x768xf32, #tpu.memory_space<vmem>>, %arg7: memref<1x1x768xf32, #tpu.memory_space<vmem>>, %arg8: memref<256x768xf32, #tpu.memory_space<vmem>>) attributes {dimension_semantics = [#tpu.dimension_semantics<arbitrary>], iteration_bounds = array<i64: 96>, scalar_prefetch = 2 : i64, scratch_operands = 0 : i64, tpu.core_type = #tpu.core_type<tc>, window_params = [{transform_indices = @transform_0, window_bounds = array<i64: 256, 128>}, {transform_indices = @transform_1, window_bounds = array<i64: 1, 768, 32>}, {transform_indices = @transform_2, window_bounds = array<i64: 1, 1, 768>}, {transform_indices = @transform_3, window_bounds = array<i64: 1, 768, 768>}, {transform_indices = @transform_4, window_bounds = array<i64: 1, 1, 768>}, {transform_indices = @transform_5, window_bounds = array<i64: 256, 768>}]} {
    %get3A = arith.constant 0 : index
    %get3A_0 = memref.load %arg2[%get3A] : memref<1xi32, #tpu.memory_space<smem>>
    %lt3A = arith.cmpi slt, %arg0, %get3A_0 : i32
    %convert_element_type3A = arith.extui %lt3A : i1 to i32
    %cond3A = arith.constant 0 : i32
    %cond3A_1 = arith.cmpi ne, %convert_element_type3A, %cond3A : i32
    scf.if %cond3A_1 {
      %get3A_2 = arith.constant 0 : index
      %get3A_3 = arith.constant 0 : index
      %get3A_4 = vector.load %arg3[%get3A_2, %get3A_3] : memref<256x128xf32, #tpu.memory_space<vmem>>, vector<256x128xf32>
      %slice3A = vector.extract_strided_slice %get3A_4 {offsets = [0, 0], sizes = [256, 32], strides = [1, 1]} : vector<256x128xf32> to vector<256x32xf32>
      %convert_element_type3A_5 = arith.truncf %slice3A : vector<256x32xf32> to vector<256x32xbf16>
      %get3A_6 = arith.constant 0 : index
      %get3A_7 = arith.constant 0 : index
      %get3A_8 = arith.constant 0 : index
      %get3A_9 = vector.load %arg4[%get3A_6, %get3A_7, %get3A_8] : memref<1x768x32xf32, #tpu.memory_space<vmem>>, vector<1x768x32xf32>
      %get3A_10 = vector.shape_cast %get3A_9 : vector<1x768x32xf32> to vector<768x32xf32>
      %convert_element_type3A_11 = arith.truncf %get3A_10 : vector<768x32xf32> to vector<768x32xbf16>
      %dot_general3A = arith.constant dense<0.000000e+00> : vector<256x768xf32>
      %dot_general3A_12 = tpu.matmul %convert_element_type3A_5, %convert_element_type3A_11, %dot_general3A {dimension_numbers = #tpu.dot_dimension_numbers<[1], [1], [0], [0], [0, 0, 1, 0], [], []>, transpose_lhs_hint = false} : vector<256x32xbf16>, vector<768x32xbf16>, vector<256x768xf32> -> vector<256x768xf32>
      %get3A_13 = arith.constant 0 : index
      %get3A_14 = arith.constant 0 : index
      %get3A_15 = arith.constant 0 : index
      %get3A_16 = vector.load %arg5[%get3A_13, %get3A_14, %get3A_15] : memref<1x1x768xf32, #tpu.memory_space<vmem>>, vector<1x1x768xf32>
      %get3A_17 = vector.shape_cast %get3A_16 : vector<1x1x768xf32> to vector<1x768xf32>
      %add3A = vector.broadcast %get3A_17 : vector<1x768xf32> to vector<256x768xf32>
      %add3A_18 = arith.addf %dot_general3A_12, %add3A : vector<256x768xf32>
      %max3A = arith.constant 0.000000e+00 : f32
      %max3A_19 = vector.broadcast %max3A : f32 to vector<256x768xf32>
      %max3A_20 = arith.maximumf %add3A_18, %max3A_19 : vector<256x768xf32>
      %get3A_21 = arith.constant 0 : index
      %get3A_22 = arith.constant 0 : index
      %get3A_23 = arith.constant 0 : index
      %get3A_24 = vector.load %arg6[%get3A_21, %get3A_22, %get3A_23] : memref<1x768x768xf32, #tpu.memory_space<vmem>>, vector<1x768x768xf32>
      %get3A_25 = vector.shape_cast %get3A_24 : vector<1x768x768xf32> to vector<768x768xf32>
      %convert_element_type3A_26 = arith.truncf %get3A_25 : vector<768x768xf32> to vector<768x768xbf16>
      %convert_element_type3A_27 = arith.truncf %max3A_20 : vector<256x768xf32> to vector<256x768xbf16>
      %dot_general3A_28 = arith.constant dense<0.000000e+00> : vector<256x768xf32>
      %dot_general3A_29 = tpu.matmul %convert_element_type3A_27, %convert_element_type3A_26, %dot_general3A_28 {dimension_numbers = #tpu.dot_dimension_numbers<[1], [1], [0], [0], [0, 0, 1, 0], [], []>, transpose_lhs_hint = false} : vector<256x768xbf16>, vector<768x768xbf16>, vector<256x768xf32> -> vector<256x768xf32>
      %get3A_30 = arith.constant 0 : index
      %get3A_31 = arith.constant 0 : index
      %get3A_32 = arith.constant 0 : index
      %get3A_33 = vector.load %arg7[%get3A_30, %get3A_31, %get3A_32] : memref<1x1x768xf32, #tpu.memory_space<vmem>>, vector<1x1x768xf32>
      %get3A_34 = vector.shape_cast %get3A_33 : vector<1x1x768xf32> to vector<1x768xf32>
      %add3A_35 = vector.broadcast %get3A_34 : vector<1x768xf32> to vector<256x768xf32>
      %add3A_36 = arith.addf %dot_general3A_29, %add3A_35 : vector<256x768xf32>
      %swap3A = arith.constant 0 : index
      %swap3A_37 = arith.constant 0 : index
      %swap3A_38 = vector.load %arg8[%swap3A, %swap3A_37] : memref<256x768xf32, #tpu.memory_space<vmem>>, vector<256x768xf32>
      tpu.vector_store %arg8[%swap3A, %swap3A_37], %add3A_36 {strides = array<i32>} : memref<256x768xf32, #tpu.memory_space<vmem>>, vector<256x768xf32>,
    } else {
    }
    return
  }
  func.func @transform_0(%arg0: i32, %arg1: memref<96xi32, #tpu.memory_space<smem>>, %arg2: memref<1xi32, #tpu.memory_space<smem>>) -> (i32, i32) {
    %c0_i32 = arith.constant 0 : i32
    %c0_i32_0 = arith.constant 0 : i32
    return %arg0, %c0_i32 : i32, i32
  }
  func.func @transform_1(%arg0: i32, %arg1: memref<96xi32, #tpu.memory_space<smem>>, %arg2: memref<1xi32, #tpu.memory_space<smem>>) -> (i32, i32, i32) {
    %get3A = arith.index_cast %arg0 : i32 to index
    %get3A_0 = memref.load %arg1[%get3A] : memref<96xi32, #tpu.memory_space<smem>>
    %c0_i32 = arith.constant 0 : i32
    %c0_i32_1 = arith.constant 0 : i32
    %c0_i32_2 = arith.constant 0 : i32
    return %get3A_0, %c0_i32, %c0_i32_1 : i32, i32, i32
  }
  func.func @transform_2(%arg0: i32, %arg1: memref<96xi32, #tpu.memory_space<smem>>, %arg2: memref<1xi32, #tpu.memory_space<smem>>) -> (i32, i32, i32) {
    %get3A = arith.index_cast %arg0 : i32 to index
    %get3A_0 = memref.load %arg1[%get3A] : memref<96xi32, #tpu.memory_space<smem>>
    %c0_i32 = arith.constant 0 : i32
    %c0_i32_1 = arith.constant 0 : i32
    %c0_i32_2 = arith.constant 0 : i32
    return %get3A_0, %c0_i32, %c0_i32_1 : i32, i32, i32
  }
  func.func @transform_3(%arg0: i32, %arg1: memref<96xi32, #tpu.memory_space<smem>>, %arg2: memref<1xi32, #tpu.memory_space<smem>>) -> (i32, i32, i32) {
    %get3A = arith.index_cast %arg0 : i32 to index
    %get3A_0 = memref.load %arg1[%get3A] : memref<96xi32, #tpu.memory_space<smem>>
    %c0_i32 = arith.constant 0 : i32
    %c0_i32_1 = arith.constant 0 : i32
    %c0_i32_2 = arith.constant 0 : i32
    return %get3A_0, %c0_i32, %c0_i32_1 : i32, i32, i32
  }
  func.func @transform_4(%arg0: i32, %arg1: memref<96xi32, #tpu.memory_space<smem>>, %arg2: memref<1xi32, #tpu.memory_space<smem>>) -> (i32, i32, i32) {
    %get3A = arith.index_cast %arg0 : i32 to index
    %get3A_0 = memref.load %arg1[%get3A] : memref<96xi32, #tpu.memory_space<smem>>
    %c0_i32 = arith.constant 0 : i32
    %c0_i32_1 = arith.constant 0 : i32
    %c0_i32_2 = arith.constant 0 : i32
    return %get3A_0, %c0_i32, %c0_i32_1 : i32, i32, i32
  }
  func.func @transform_5(%arg0: i32, %arg1: memref<96xi32, #tpu.memory_space<smem>>, %arg2: memref<1xi32, #tpu.memory_space<smem>>) -> (i32, i32) {
    %get3A = arith.constant 0 : index
    %get3A_0 = memref.load %arg2[%get3A] : memref<1xi32, #tpu.memory_space<smem>>
    %sub3A = arith.constant 1 : i32
    %sub3A_1 = arith.subi %get3A_0, %sub3A : i32
    %min3A = arith.minsi %arg0, %sub3A_1 : i32
    %c0_i32 = arith.constant 0 : i32
    %c0_i32_2 = arith.constant 0 : i32
    return %min3A, %c0_i32 : i32, i32
  }
}

</mosaic_0001>

<sc_bundles>
// kernel: kernel.6.cloned.1.call-start
scs
__scs_entry_jumppad:
0x0: {  	(pc) =	sbr.rel $0x88, $3  }
0x1: {  	(tag) =	ssettag $0x0;
	lr =	simm.s32 $0x1  }
0x2: {  	[smem:$0x3F98] =	sst lr;
	_ =	strace $0xD0000000  }
0x3: {  	_ = 	snop  }
0x4: {  	_ = 	snop  }
0x5: {  	_ = 	snop  }
0x6: {  	_ = 	snop  }
0x7: {  	_ = 	snop  }
__scs_overlays_trampoline_lowered:
0x8: {  	[smem:$0x3FA7] =	sst s0  }
0x9: {  	[smem:$0x3FA8] =	sst s1  }
0xa: {  	[smem:$0x3FA9] =	sst s2  }
0xb: {  	[smem:$0x3FAA] =	sst s3  }
0xc: {  	[smem:$0x3FAB] =	sst s4  }
0xd: {  	[smem:$0x3FAC] =	sst s5  }
0xe: {  	[smem:$0x3FAD] =	sst s6  }
0xf: {  	[smem:$0x3FAE] =	sst s7  }
0x10: {  	[smem:$0x3FAF] =	sst s8  }
0x11: {  	[smem:$0x3FB0] =	sst s9;
	s0 =	simm.s32 @!p0 $0x0  }
0x12: {  	s1 =	sld [smem:$0x3F96];
	s0 =	simm.s32 @p0 $0x1  }
0x13: {  	[smem:$0x3FB1] =	sst s0;
	s0 =	simm.s32 @!p1 $0x0  }
0x14: {  	s2 =	sld [smem:$0x3F95];
	s0 =	simm.s32 @p1 $0x1  }
0x15: {  	[smem:$0x3FB2] =	sst s0;
	s0 =	simm.s32 @!p2 $0x0  }
0x16: {  	s3 =	sld [smem:$0x3FDB];
	s0 =	simm.s32 @p2 $0x1  }
0x17: {  	s4 =	simm.s32 $0x1BF5;
	[smem:$0x3FB4] =	sst s0  }
0x18: {  	s0 =	sld [smem:$0x3F97];
	_ =	swait.ge [sflag:s4], $0x0  }
0x19: {  	s7 =	sld [smem:$0x3F98]  }
0x1a: {  	s8 =	sadd.s32 $0xFFFFE003, lr  }
0x1b: {  	s9 =	sadd.s32 $0xFFFFFEF7, lr;
	s5 =	simm.s32 $0xFFFFFFFF;
	p2 =	slt.u32 s8, $0xFFFFF086  }
0x1c: {  	p1 =	slt.u32 s9, $0xF7A;
	s5 =	simm.s32 @!p2 $0x0  }
0x1d: {  	s5 =	simm.s32 @p1 $0x1;
	p0 =	seq.s32 s7, s2  }
0x1e: {  	s7 =	smul.u32 @!p0 $0xF7A, s2;
	p2 =	seq.s32 @!p0 s5, $0x0  }
0x1f: {  	s9 =	smul.u32 $0xF7A, s1;
	s8 =	simm.s32 @!p0 $0x1BF5;
	p2 =	por !p2, p0  }
0x20: {  	[sflag:s8] =	ssyncset.s32 @!p0 $0xFFFFF086;
	s6 =	sadd.s32 @!p0 s3, s7;
	s7 =	simm.s32 @!p0 $0x108  }
0x21: {  	s3 =	sadd.s32 s3, s9;
	s6 =	sadd.s32 @!p0 $0x88, s6;
	s7 =	simm.s32 @p2 $0x1082  }
0x22: {  	[simem:s7], [sflag:s8] =	dma.local @!p0 [hbm:s6], $0xF7A  }
0x23: {  	s9 =	sor.u32 $0xD0000000, s2;
	s6 =	simm.s32 $0x108;
	_ =	swait.ge @!p0 [sflag:s8], $0x0  }
0x24: {  	s3 =	sadd.s32 $0x88, s3;
	s6 =	simm.s32 @!p1 $0x1082;
	[sflag:s4] =	ssyncset.s32 $0xFFFFF086  }
0x25: {  	[simem:s6], [sflag:s4] =	dma.local [hbm:s3], $0xF7A  }
0x26: {  	[smem:$0x3F98] =	sst s1;
	(tag) =	ssettag s2;
	_ =	strace s9  }
0x27: {  	s1 =	sld [smem:$0x3FA8]  }
0x28: {  	s2 =	sld [smem:$0x3FA9]  }
0x29: {  	s4 =	sld [smem:$0x3FAB]  }
0x2a: {  	p0 =	seq.s32 s5, $0x0;
	s5 =	sld [smem:$0x3FAC]  }
0x2b: {  	s6 =	sld [smem:$0x3FAD]  }
0x2c: {  	s7 =	sld [smem:$0x3FAE]  }
0x2d: {  	s3 =	simm.s32 $0x108;
	s8 =	sld [smem:$0x3FAF]  }
0x2e: {  	s3 =	simm.s32 @!p0 $0x1082;
	s9 =	sld [smem:$0x3FB0]  }
0x2f: {  	lr =	sadd.s32 s0, s3;
	s0 =	sld [smem:$0x3FA7]  }
0x30: {  	s3 =	sld [smem:$0x3FAA]  }
0x31: {  	[smem:$0x3FB3] =	sst s10  }
0x32: {  	s10 =	sld [smem:$0x3FB1];
	_ =	sdelay $0x3  }
0x33: {  	p0 =	seq.s32 s10, $0x1;
	s10 =	sld [smem:$0x3FB3];
	_ =	sdelay $0x3  }
0x34: {  	[smem:$0x3FB3] =	sst s10  }
0x35: {  	s10 =	sld [smem:$0x3FB2];
	_ =	sdelay $0x3  }
0x36: {  	p1 =	seq.s32 s10, $0x1;
	s10 =	sld [smem:$0x3FB3];
	_ =	sdelay $0x3  }
0x37: {  	[smem:$0x3FB3] =	sst s10  }
0x38: {  	s10 =	sld [smem:$0x3FB4]  }
0x39: {  	_ = 	snop;
	(pc) =	sbr.ind lr, $3  }
0x3a: {  	_ = 	snop  }
0x3b: {  	_ = 	snop  }
0x3c: {  	p2 =	seq.s32 s10, $0x1;
	s10 =	sld [smem:$0x3FB3]  }
0x3d: {  	_ =	shalt  }
0x3e: {  	_ =	shalt  }
0x3f: {  	_ =	shalt  }
0x40: {  	_ =	shalt  }
0x41: {  	_ =	shalt  }
0x42: {  	_ =	shalt  }
0x43: {  	_ =	shalt  }
0x44: {  	_ =	shalt  }
0x45: {  	_ =	shalt  }
0x46: {  	_ =	shalt  }
0x47: {  	_ =	shalt  }
0x48: {  	_ =	shalt  }
0x49: {  	_ =	shalt  }
0x4a: {  	_ =	shalt  }
0x4b: {  	_ =	shalt  }
0x4c: {  	_ =	shalt  }
0x4d: {  	_ =	shalt  }
0x4e: {  	_ =	shalt  }
0x4f: {  	_ =	shalt  }
0x50: {  	_ =	shalt  }
0x51: {  	_ =	shalt  }
0x52: {  	_ =	shalt  }
0x53: {  	_ =	shalt  }
0x54: {  	_ =	shalt  }
0x55: {  	_ =	shalt  }
0x56: {  	_ =	shalt  }
0x57: {  	_ =	shalt  }
0x58: {  	_ =	shalt  }
0x59: {  	_ =	shalt  }
0x5a: {  	_ =	shalt  }
0x5b: {  	_ =	shalt  }
0x5c: {  	_ =	shalt  }
0x5d: {  	_ =	shalt  }
0x5e: {  	_ =	shalt  }
0x5f: {  	_ =	shalt  }
0x60: {  	_ =	shalt  }
0x61: {  	_ =	shalt  }
0x62: {  	_ =	shalt  }
0x63: {  	_ =	shalt  }
0x64: {  	_ =	shalt  }
0x65: {  	_ =	shalt  }
0x66: {  	_ =	shalt  }
0x67: {  	_ =	shalt  }
0x68: {  	_ =	shalt  }
0x69: {  	_ =	shalt  }
0x6a: {  	_ =	shalt  }
0x6b: {  	_ =	shalt  }
0x6c: {  	_ =	shalt  }
0x6d: {  	_ =	shalt  }
0x6e: {  	_ =	shalt  }
0x6f: {  	_ =	shalt  }
0x70: {  	_ =	shalt  }
0x71: {  	_ =	shalt  }
0x72: {  	_ =	shalt  }
0x73: {  	_ =	shalt  }
0x74: {  	_ =	shalt  }
0x75: {  	_ =	shalt  }
0x76: {  	_ =	shalt  }
0x77: {  	_ =	shalt  }
0x78: {  	_ =	shalt  }
0x79: {  	_ =	shalt  }
0x7a: {  	_ =	shalt  }
0x7b: {  	_ =	shalt  }
0x7c: {  	_ =	shalt  }
0x7d: {  	_ =	shalt  }
0x7e: {  	_ =	shalt  }
0x7f: {  	_ =	shalt  }
0x80: {  	_ =	shalt  }
0x81: {  	_ =	shalt  }
0x82: {  	_ =	shalt  }
0x83: {  	_ =	shalt  }
0x84: {  	_ =	shalt  }
0x85: {  	_ =	shalt  }
0x86: {  	_ =	shalt  }
0x87: {  	_ =	shalt  }
.Lfunc_end0:
.L_simem_size_0:
called_computation_lowered:
.L_overlay_start_0:
0x88: {  	s2 =	sld [smem:$0x3FD9]  }
0x89: {  	s3 =	sld [smem:$0x3FFE];
	_ =	sdelay $0x1  }
0x8a: {  	s1 =	srdreg.scid  }
0x8b: {  	s0 =	sand.u32 $0x1, s1  }
0x8c: {  	s16 =	sshll.u32 s0, $0xA;
	s2 =	sadd.s32 s3, s2  }
0x8d: {  	s2 =	sadd.s32 s2, s16  }
0x8e: {  	[smem:$0x3FBF] =	sst s2  }
0x8f: {  	_ = 	snop  }
0x90: {  	(tm) =	ssettm $0x1  }
0x91: {  	s17 =	sld [smem:$0x3FFB];
	_ =	sdelay $0x3  }
0x92: {  	_ =	strace s17  }
0x93: {  	s2 =	sld [smem:$0x3FFC];
	_ =	sdelay $0x3  }
0x94: {  	_ =	strace s2  }
0x95: {  	s2 =	sld [smem:$0x3FFD];
	_ =	sdelay $0x3  }
0x96: {  	_ =	strace s2  }
0x97: {  	_ =	strace $0x8FFFFFFF  }
0x98: {  	s18 =	sld [smem:$0x3FDB];
	_ =	sdelay $0x1  }
0x99: {  	s19 =	simm.s32 $_scs_section_size  }
0x9a: {  	s4 =	simm.s32 $_size__tile_overlayer_lowered;
	s5 =	simm.s32 $_tile_overlayer_lowered  }
0x9b: {  	s22 =	simm.s32 $0x1BFF;
	s21 =	sshll.u32 s5, $0x1;
	s2 =	sadd.s32 s19, s18  }
0x9c: {  	s6 =	simm.s32 $0x0;
	s20 =	sshll.u32 s4, $0x1;
	s4 =	sadd.s32 s21, s2  }
0x9d: {  	[timem:s6], [sflag:s22] =	dma.local [hbm:s4], s20  }
0x9e: {  	_ =	swait.ge [sflag:s22], s20  }
0x9f: {  	s3 =	ssub.s32 $0x0, s20;
	[sflag:s22] =	ssyncset.done $0x0  }
0xa0: {  	[sflag:s22] =	ssyncadd.s32 s3;
	_ =	sdelay $0x1  }
0xa1: {  	s23 =	simm.s32 $0x1B8B  }
0xa2: {  	_ =	swait.ge [sflag:s23], $0x1  }
0xa3: {  	[sflag:s23] =	ssyncset.done $0x0  }
0xa4: {  	s25 =	simm.s32 $0x1B8E;
	s24 =	sld [smem:$0x3FFE];
	[sflag:s23] =	ssyncadd.s32 $0xFFFFFFFF  }
0xa5: {  	s26 =	simm.s32 $execute0_lowered;
	[smem:$0x3FD2] =	sst s25  }
0xa6: {  	s4 =	sshll.u32 s26, $0x1;
	_ =	strace $0x80000046;
	[dreg:$0x1] =	wrdreg $0xFFFFFFFF  }
0xa7: {  	s28 =	simm.s32 $_size_execute0_lowered;
	s2 =	sadd.s32 s2, s4;
	[dreg:$0x0] =	wrdreg $0x0  }
0xa8: {  	s4 =	sshll.u32 s28, $0x1;
	[dreg:$0x2] =	wrdreg s2  }
0xa9: {  	[dreg:$0x3] =	wrdreg s4  }
0xaa: {  	[dreg:$0x4] =	wrdreg $0xC0  }
0xab: {  	_ =	task [dreg:s6], $0x5FFFF  }
0xac: {  	[dreg:$0x1] =	wrdreg $0xFFFFFFFF  }
0xad: {  	[dreg:$0x0] =	wrdreg $0x60  }
0xae: {  	[dreg:$0x2] =	wrdreg s24  }
0xaf: {  	[dreg:$0x3] =	wrdreg $0x9  }
0xb0: {  	_ =	task.clear_ibuf [dreg:s6], $0x4FFFF;
	_ =	strace $0x90000046  }
0xb1: {  	s29 =	simm.s32 $0x9;
	_ =	strace $0x80000048  }
0xb2: {  	_ =	swait.ge [sflag:s29], $0x1  }
0xb3: {  	[sflag:s29] =	ssyncadd.s32 $0xFFFFFFFF  }
0xb4: {  	_ =	strace $0x90000048  }
0xb5: {  	_ =	sfence  }
0xb6: {  	s30 =	sld [smem:$0x0];
	_ =	sdelay $0x2  }
0xb7: {  	s31 =	sshll.u32 s1, $0xD;
	s1 =	sshrl.u32 s1, $0x2  }
0xb8: {  	s3 =	sand.u32 $0x4000, s31;
	s1 =	sadd.s32 s1, s30  }
0xb9: {  	s0 =	sor.u32 s3, s0;
	s1 =	sshll.u32 s1, $0x11  }
0xba: {  	s0 =	sor.u32 s1, s0  }
0xbb: {  	s0 =	sadd.s32 $0x8F2B, s0  }
0xbc: {  	[sflag:s0] =	ssyncadd.remote.s32 $0x1  }
0xbd: {  	_ =	sfence.sel $0xFFFF  }
0xbe: {  	[dreg:$0x0] =	wrdreg $0xFFFFFFFF;
	(pc) =	sbr.abs _section_cstart, $3  }
0xbf: {  	[dreg:$0x1] =	wrdreg $0xFFFFFFFF  }
0xc0: {  	_ =	task.clear_ibuf [dreg:s6], $0x2FFFF;
	_ =	strace $0x9FFFFFFF  }
0xc1: {  	(tm) =	ssettm $0x7FFFFFFF  }
tec
execute0_lowered:
.L_overlay_start_1:
0x0: {  	(tag) =	ssettag $0x1  }
0x1: {  	s1 =	srdreg.scid;
	s0 =	stileid.u32  }
0x2: {  	s8 =	sand.u32 $0x1, s1;
	s3 =	sshll.u32 s0, $0x1  }
0x3: {  	s7 =	rddreg [dreg:$0x0];
	s6 =	sor.u32 s8, s3  }
0x4: {  	s2 =	simm.s32 $0x0;
	s4 =	simm.s32 $0x100;
	s3 =	sshll.u32 s6, $0xC  }
0x5: {  	s5 =	simm.s32 $0x2;
	[smem:$0x7FF] =	sst s2;
	s3 =	sadd.s32 s3, s7  }
0x6: {  	s1 =	rddreg [dreg:$0x1];
	_ =	strace $0x80000047;
	s3 =	sadd.s32 $0x1800, s3  }
0x7: {  	[tilespmem:s4], [sflag:$0x2] =	stream.linear.gather [hbm4b:s3+s2], $0x8000, $0x38;
	[tilespmem:$0x8100] =	vst v63  }
0x8: {  	s6 =	sshll.u32 s6, $0x5;
	_ =	swait.ge [sflag:s5], $0x8000  }
0x9: {  	s6 =	sadd.s32 s6, s7;
	[sflag:s5] =	ssyncset.done $0x0  }
0xa: {  	s10 =	ssub.s32 $0x2, s8;
	s6 =	sadd.s32 $0x21800, s6;
	[sflag:s5] =	ssyncadd.s32 $0xFFFF8000  }
0xb: {  	[tilespmem:s2], [sflag:$0x2] =	stream.linear.gather [hbm4b:s6+s2], $0x100, $0x38;
	[tilespmem:$0x8100] =	vst v63  }
0xc: {  	s9 =	simm.s32 $0x80;
	s11 =	sshrl.u32 s10, $0x1;
	_ =	swait.ge [sflag:s5], $0x100  }
0xd: {  	s8 =	simm.s32 $0x1;
	s10 =	ssub.s32 s10, s11;
	[sflag:s5] =	ssyncset.done $0x0  }
0xe: {  	s7 =	sadd.s32 $0x21C00, s7;
	s11 =	smax.u32 s10, $0x1;
	[sflag:s5] =	ssyncadd.s32 $0xFFFFFF00  }
0xf: {  	[hbm4b:s7+s9] =	stream.indirect.scatter [tilespmem:s4], [sflag:$0x1], $0x80, s2, s9, $0xb8;
	[tilespmem:$0x8100] =	vst v63  }
0x10: {  	p0 =	sne.s32 s11, $0x1;
	_ =	swait.ge [sflag:s8], $0x4000  }
.Ltmp0:
0x11: {  	[sflag:s8] =	ssyncset.done $0x0;
	(pc) =	sbr.rel @!p0 .LBB2_2-.Ltmp0, $4  }
0x12: {  	s10 =	simm.s32 $0x4100;
	[sflag:s8] =	ssyncadd.s32 $0xFFFFC000  }
0x13: {  	[hbm4b:s7+s9] =	stream.indirect.scatter [tilespmem:s10], [sflag:$0x1], $0x80, s9, s9, $0xb8;
	[tilespmem:$0x8100] =	vst v63  }
0x14: {  	_ =	swait.ge [sflag:s8], $0x4000  }
0x15: {  	s11 =	sadd.s32 $0xFFFFFFFF, s11;
	[sflag:s8] =	ssyncset.done $0x0  }
.LBB2_1:
0x16: {  	p0 =	sne.s32 s11, $0x1;
	s11 =	sadd.s32 $0xFFFFFFFF, s11;
	[sflag:s8] =	ssyncadd.s32 $0xFFFFC000  }
0x17: {  	[tilespmem:s4], [sflag:$0x2] =	stream.linear.gather [hbm4b:s3+s2], $0x8000, $0x38;
	[tilespmem:$0x8100] =	vst v63  }
0x18: {  	_ =	swait.ge [sflag:s5], $0x8000  }
0x19: {  	[sflag:s5] =	ssyncset.done $0x0  }
0x1a: {  	[sflag:s5] =	ssyncadd.s32 $0xFFFF8000  }
0x1b: {  	[tilespmem:s2], [sflag:$0x2] =	stream.linear.gather [hbm4b:s6+s2], $0x100, $0x38;
	[tilespmem:$0x8100] =	vst v63  }
0x1c: {  	_ =	swait.ge [sflag:s5], $0x100  }
0x1d: {  	[sflag:s5] =	ssyncset.done $0x0  }
0x1e: {  	[sflag:s5] =	ssyncadd.s32 $0xFFFFFF00  }
0x1f: {  	[hbm4b:s7+s9] =	stream.indirect.scatter [tilespmem:s4], [sflag:$0x1], $0x80, s2, s9, $0xb8;
	[tilespmem:$0x8100] =	vst v63  }
0x20: {  	_ =	swait.ge [sflag:s8], $0x4000  }
.Ltmp1:
0x21: {  	[sflag:s8] =	ssyncset.done $0x0;
	(pc) =	sbr.rel @p0 .LBB2_1-.Ltmp1, $4  }
0x22: {  	[sflag:s8] =	ssyncadd.s32 $0xFFFFC000  }
0x23: {  	[hbm4b:s7+s9] =	stream.indirect.scatter [tilespmem:s10], [sflag:$0x1], $0x80, s9, s9, $0xb8;
	[tilespmem:$0x8100] =	vst v63  }
0x24: {  	_ =	swait.ge [sflag:s8], $0x4000  }
0x25: {  	[sflag:s8] =	ssyncset.done $0x0  }
.LBB2_2:
0x26: {  	[sflag:s8] =	ssyncadd.s32 $0xFFFFC000  }
0x27: {  	_ =	sfence.sel $0x180000  }
0x28: {  	[bflag:$0x0] =	sbarrier.arrive $0xFFFF  }
0x29: {  	p0 =	sne.s32 s0, $0x0;
	_ =	strace $0x90000047  }
0x2a: {  	s0 =	sadd.s32 @!p0 $0x100000, s1;
	[bflag:$0x2] =	sbarrier.arrive $0xFFFF  }
0x2b: {  	[sflag:s0] =	ssyncadd.tile.s32 @!p0 $0x1;
	_ =	shalt  }
.Lfunc_end2:
_tile_overlayer_lowered:
.L_overlay_start_2:
0x2c: {  	(tag) =	ssettag $0x2  }
0x2d: {  	s0 =	rddreg [dreg:$0x0];
	s2 =	stileid.u32  }
0x2e: {  	s1 =	rddreg [dreg:$0x1];
	p0 =	sne.s32 s2, $0x0  }
0x2f: {  	s3 =	rddreg [dreg:$0x2];
	[bflag:$0x3] =	sbarrier.arrive $0xFFFF;
	s2 =	simm.s32 @!p0 $0x1C02  }
0x30: {  	[timem:s3], [sflag:s2] =	dma.local @!p0 [hbm:s0], s1  }
0x31: {  	s0 =	simm.s32 @!p0 $0x2  }
0x32: {  	_ =	swait.ge @!p0 [sflag:s0], s1  }
0x33: {  	s1 =	ssub.s32 @!p0 $0x0, s1;
	[sflag:s0] =	ssyncset.done @!p0 $0x0  }
0x34: {  	[sflag:s0] =	ssyncadd.s32 @!p0 s1  }
0x35: {  	[bflag:$0x3] =	sbarrier.arrive $0xFFFF  }
0x36: {  	_ =	shalt  }

// kernel: kernel.9.cloned.1.call-start
scs
__scs_entry_jumppad:
0x0: {  	(pc) =	sbr.rel $0x88, $3  }
0x1: {  	(tag) =	ssettag $0x0;
	lr =	simm.s32 $0x1  }
0x2: {  	[smem:$0x3F98] =	sst lr;
	_ =	strace $0xD0000000  }
0x3: {  	_ = 	snop  }
0x4: {  	_ = 	snop  }
0x5: {  	_ = 	snop  }
0x6: {  	_ = 	snop  }
0x7: {  	_ = 	snop  }
__scs_overlays_trampoline_lowered:
0x8: {  	[smem:$0x3FA7] =	sst s0  }
0x9: {  	[smem:$0x3FA8] =	sst s1  }
0xa: {  	[smem:$0x3FA9] =	sst s2  }
0xb: {  	[smem:$0x3FAA] =	sst s3  }
0xc: {  	[smem:$0x3FAB] =	sst s4  }
0xd: {  	[smem:$0x3FAC] =	sst s5  }
0xe: {  	[smem:$0x3FAD] =	sst s6  }
0xf: {  	[smem:$0x3FAE] =	sst s7  }
0x10: {  	[smem:$0x3FAF] =	sst s8  }
0x11: {  	[smem:$0x3FB0] =	sst s9;
	s0 =	simm.s32 @!p0 $0x0  }
0x12: {  	s1 =	sld [smem:$0x3F96];
	s0 =	simm.s32 @p0 $0x1  }
0x13: {  	[smem:$0x3FB1] =	sst s0;
	s0 =	simm.s32 @!p1 $0x0  }
0x14: {  	s2 =	sld [smem:$0x3F95];
	s0 =	simm.s32 @p1 $0x1  }
0x15: {  	[smem:$0x3FB2] =	sst s0;
	s0 =	simm.s32 @!p2 $0x0  }
0x16: {  	s3 =	sld [smem:$0x3FDB];
	s0 =	simm.s32 @p2 $0x1  }
0x17: {  	s4 =	simm.s32 $0x1BF5;
	[smem:$0x3FB4] =	sst s0  }
0x18: {  	s0 =	sld [smem:$0x3F97];
	_ =	swait.ge [sflag:s4], $0x0  }
0x19: {  	s7 =	sld [smem:$0x3F98]  }
0x1a: {  	s8 =	sadd.s32 $0xFFFFE003, lr  }
0x1b: {  	s9 =	sadd.s32 $0xFFFFFEF7, lr;
	s5 =	simm.s32 $0xFFFFFFFF;
	p2 =	slt.u32 s8, $0xFFFFF086  }
0x1c: {  	p1 =	slt.u32 s9, $0xF7A;
	s5 =	simm.s32 @!p2 $0x0  }
0x1d: {  	s5 =	simm.s32 @p1 $0x1;
	p0 =	seq.s32 s7, s2  }
0x1e: {  	s7 =	smul.u32 @!p0 $0xF7A, s2;
	p2 =	seq.s32 @!p0 s5, $0x0  }
0x1f: {  	s9 =	smul.u32 $0xF7A, s1;
	s8 =	simm.s32 @!p0 $0x1BF5;
	p2 =	por !p2, p0  }
0x20: {  	[sflag:s8] =	ssyncset.s32 @!p0 $0xFFFFF086;
	s6 =	sadd.s32 @!p0 s3, s7;
	s7 =	simm.s32 @!p0 $0x108  }
0x21: {  	s3 =	sadd.s32 s3, s9;
	s6 =	sadd.s32 @!p0 $0x88, s6;
	s7 =	simm.s32 @p2 $0x1082  }
0x22: {  	[simem:s7], [sflag:s8] =	dma.local @!p0 [hbm:s6], $0xF7A  }
0x23: {  	s9 =	sor.u32 $0xD0000000, s2;
	s6 =	simm.s32 $0x108;
	_ =	swait.ge @!p0 [sflag:s8], $0x0  }
0x24: {  	s3 =	sadd.s32 $0x88, s3;
	s6 =	simm.s32 @!p1 $0x1082;
	[sflag:s4] =	ssyncset.s32 $0xFFFFF086  }
0x25: {  	[simem:s6], [sflag:s4] =	dma.local [hbm:s3], $0xF7A  }
0x26: {  	[smem:$0x3F98] =	sst s1;
	(tag) =	ssettag s2;
	_ =	strace s9  }
0x27: {  	s1 =	sld [smem:$0x3FA8]  }
0x28: {  	s2 =	sld [smem:$0x3FA9]  }
0x29: {  	s4 =	sld [smem:$0x3FAB]  }
0x2a: {  	p0 =	seq.s32 s5, $0x0;
	s5 =	sld [smem:$0x3FAC]  }
0x2b: {  	s6 =	sld [smem:$0x3FAD]  }
0x2c: {  	s7 =	sld [smem:$0x3FAE]  }
0x2d: {  	s3 =	simm.s32 $0x108;
	s8 =	sld [smem:$0x3FAF]  }
0x2e: {  	s3 =	simm.s32 @!p0 $0x1082;
	s9 =	sld [smem:$0x3FB0]  }
0x2f: {  	lr =	sadd.s32 s0, s3;
	s0 =	sld [smem:$0x3FA7]  }
0x30: {  	s3 =	sld [smem:$0x3FAA]  }
0x31: {  	[smem:$0x3FB3] =	sst s10  }
0x32: {  	s10 =	sld [smem:$0x3FB1];
	_ =	sdelay $0x3  }
0x33: {  	p0 =	seq.s32 s10, $0x1;
	s10 =	sld [smem:$0x3FB3];
	_ =	sdelay $0x3  }
0x34: {  	[smem:$0x3FB3] =	sst s10  }
0x35: {  	s10 =	sld [smem:$0x3FB2];
	_ =	sdelay $0x3  }
0x36: {  	p1 =	seq.s32 s10, $0x1;
	s10 =	sld [smem:$0x3FB3];
	_ =	sdelay $0x3  }
0x37: {  	[smem:$0x3FB3] =	sst s10  }
0x38: {  	s10 =	sld [smem:$0x3FB4]  }
0x39: {  	_ = 	snop;
	(pc) =	sbr.ind lr, $3  }
0x3a: {  	_ = 	snop  }
0x3b: {  	_ = 	snop  }
0x3c: {  	p2 =	seq.s32 s10, $0x1;
	s10 =	sld [smem:$0x3FB3]  }
0x3d: {  	_ =	shalt  }
0x3e: {  	_ =	shalt  }
0x3f: {  	_ =	shalt  }
0x40: {  	_ =	shalt  }
0x41: {  	_ =	shalt  }
0x42: {  	_ =	shalt  }
0x43: {  	_ =	shalt  }
0x44: {  	_ =	shalt  }
0x45: {  	_ =	shalt  }
0x46: {  	_ =	shalt  }
0x47: {  	_ =	shalt  }
0x48: {  	_ =	shalt  }
0x49: {  	_ =	shalt  }
0x4a: {  	_ =	shalt  }
0x4b: {  	_ =	shalt  }
0x4c: {  	_ =	shalt  }
0x4d: {  	_ =	shalt  }
0x4e: {  	_ =	shalt  }
0x4f: {  	_ =	shalt  }
0x50: {  	_ =	shalt  }
0x51: {  	_ =	shalt  }
0x52: {  	_ =	shalt  }
0x53: {  	_ =	shalt  }
0x54: {  	_ =	shalt  }
0x55: {  	_ =	shalt  }
0x56: {  	_ =	shalt  }
0x57: {  	_ =	shalt  }
0x58: {  	_ =	shalt  }
0x59: {  	_ =	shalt  }
0x5a: {  	_ =	shalt  }
0x5b: {  	_ =	shalt  }
0x5c: {  	_ =	shalt  }
0x5d: {  	_ =	shalt  }
0x5e: {  	_ =	shalt  }
0x5f: {  	_ =	shalt  }
0x60: {  	_ =	shalt  }
0x61: {  	_ =	shalt  }
0x62: {  	_ =	shalt  }
0x63: {  	_ =	shalt  }
0x64: {  	_ =	shalt  }
0x65: {  	_ =	shalt  }
0x66: {  	_ =	shalt  }
0x67: {  	_ =	shalt  }
0x68: {  	_ =	shalt  }
0x69: {  	_ =	shalt  }
0x6a: {  	_ =	shalt  }
0x6b: {  	_ =	shalt  }
0x6c: {  	_ =	shalt  }
0x6d: {  	_ =	shalt  }
0x6e: {  	_ =	shalt  }
0x6f: {  	_ =	shalt  }
0x70: {  	_ =	shalt  }
0x71: {  	_ =	shalt  }
0x72: {  	_ =	shalt  }
0x73: {  	_ =	shalt  }
0x74: {  	_ =	shalt  }
0x75: {  	_ =	shalt  }
0x76: {  	_ =	shalt  }
0x77: {  	_ =	shalt  }
0x78: {  	_ =	shalt  }
0x79: {  	_ =	shalt  }
0x7a: {  	_ =	shalt  }
0x7b: {  	_ =	shalt  }
0x7c: {  	_ =	shalt  }
0x7d: {  	_ =	shalt  }
0x7e: {  	_ =	shalt  }
0x7f: {  	_ =	shalt  }
0x80: {  	_ =	shalt  }
0x81: {  	_ =	shalt  }
0x82: {  	_ =	shalt  }
0x83: {  	_ =	shalt  }
0x84: {  	_ =	shalt  }
0x85: {  	_ =	shalt  }
0x86: {  	_ =	shalt  }
0x87: {  	_ =	shalt  }
.Lfunc_end0:
.L_simem_size_0:
called_computation.1_lowered:
.L_overlay_start_0:
0x88: {  	s2 =	sld [smem:$0x3FD9]  }
0x89: {  	s3 =	sld [smem:$0x3FFE];
	_ =	sdelay $0x1  }
0x8a: {  	s1 =	srdreg.scid  }
0x8b: {  	s0 =	sand.u32 $0x1, s1  }
0x8c: {  	s17 =	sshll.u32 s0, $0xA;
	s2 =	sadd.s32 s3, s2  }
0x8d: {  	s2 =	sadd.s32 s2, s17  }
0x8e: {  	[smem:$0x3FBF] =	sst s2  }
0x8f: {  	_ = 	snop  }
0x90: {  	s2 =	sld [smem:$0x3FD0];
	(tm) =	ssettm $0x1  }
0x91: {  	s18 =	sld [smem:$0x3FFB];
	_ =	sdelay $0x3  }
0x92: {  	_ =	strace s18  }
0x93: {  	s3 =	sld [smem:$0x3FFC];
	_ =	sdelay $0x3  }
0x94: {  	_ =	strace s3  }
0x95: {  	s3 =	sld [smem:$0x3FFD];
	_ =	sdelay $0x3  }
0x96: {  	_ =	strace s3  }
0x97: {  	_ =	strace $0x8FFFFFFF  }
0x98: {  	s19 =	sld [smem:$0x3FDB];
	_ =	sdelay $0x1  }
0x99: {  	s4 =	simm.s32 $_scs_section_size  }
0x9a: {  	s5 =	simm.s32 $_size__tile_overlayer_lowered;
	s6 =	simm.s32 $_tile_overlayer_lowered  }
0x9b: {  	s22 =	simm.s32 $0x1BFF;
	s21 =	sshll.u32 s6, $0x1;
	s3 =	sadd.s32 s4, s19  }
0x9c: {  	s7 =	simm.s32 $0x0;
	s20 =	sshll.u32 s5, $0x1;
	s5 =	sadd.s32 s21, s3  }
0x9d: {  	[timem:s7], [sflag:s22] =	dma.local [hbm:s5], s20  }
0x9e: {  	_ =	swait.ge [sflag:s22], s20  }
0x9f: {  	s4 =	ssub.s32 $0x0, s20;
	[sflag:s22] =	ssyncset.done $0x0  }
0xa0: {  	[sflag:s22] =	ssyncadd.s32 s4;
	_ =	sdelay $0x1  }
0xa1: {  	s23 =	simm.s32 $0x1B8B  }
0xa2: {  	_ =	swait.ge [sflag:s23], $0x1  }
0xa3: {  	[sflag:s23] =	ssyncset.done $0x0  }
0xa4: {  	s25 =	simm.s32 $0x1B8E;
	s24 =	sld [smem:$0x3FFE];
	[sflag:s23] =	ssyncadd.s32 $0xFFFFFFFF  }
0xa5: {  	s26 =	simm.s32 $execute0_lowered;
	[smem:$0x3FD2] =	sst s25  }
0xa6: {  	s5 =	sshll.u32 s26, $0x1;
	_ =	strace $0x80000049;
	[dreg:$0x1] =	wrdreg $0xFFFFFFFF  }
0xa7: {  	s28 =	simm.s32 $_size_execute0_lowered;
	s3 =	sadd.s32 s3, s5;
	[dreg:$0x0] =	wrdreg $0x0  }
0xa8: {  	s5 =	sshll.u32 s28, $0x1;
	[dreg:$0x2] =	wrdreg s3  }
0xa9: {  	[dreg:$0x3] =	wrdreg s5  }
0xaa: {  	[dreg:$0x4] =	wrdreg $0xC0  }
0xab: {  	_ =	task [dreg:s7], $0x5FFFF  }
0xac: {  	[dreg:$0x1] =	wrdreg $0xFFFFFFFF  }
0xad: {  	[dreg:$0x0] =	wrdreg $0x60  }
0xae: {  	[dreg:$0x2] =	wrdreg s24  }
0xaf: {  	[dreg:$0x3] =	wrdreg s2  }
0xb0: {  	[dreg:$0x4] =	wrdreg $0x9  }
0xb1: {  	_ =	task.clear_ibuf [dreg:s7], $0x5FFFF;
	_ =	strace $0x90000049  }
0xb2: {  	s29 =	simm.s32 $0x9;
	_ =	strace $0x8000004B  }
0xb3: {  	_ =	swait.ge [sflag:s29], $0x1  }
0xb4: {  	[sflag:s29] =	ssyncadd.s32 $0xFFFFFFFF  }
0xb5: {  	_ =	strace $0x9000004B  }
0xb6: {  	_ =	sfence  }
0xb7: {  	s30 =	sld [smem:$0x0];
	_ =	sdelay $0x2  }
0xb8: {  	s31 =	sshll.u32 s1, $0xD;
	s1 =	sshrl.u32 s1, $0x2  }
0xb9: {  	s3 =	sand.u32 $0x4000, s31;
	s1 =	sadd.s32 s1, s30  }
0xba: {  	s0 =	sor.u32 s3, s0;
	s1 =	sshll.u32 s1, $0x11  }
0xbb: {  	s0 =	sor.u32 s1, s0  }
0xbc: {  	s0 =	sadd.s32 $0x8F2B, s0  }
0xbd: {  	[sflag:s0] =	ssyncadd.remote.s32 $0x1  }
0xbe: {  	_ =	sfence.sel $0xFFFF  }
0xbf: {  	[dreg:$0x0] =	wrdreg $0xFFFFFFFF;
	(pc) =	sbr.abs _section_cstart, $3  }
0xc0: {  	[dreg:$0x1] =	wrdreg $0xFFFFFFFF  }
0xc1: {  	_ =	task.clear_ibuf [dreg:s7], $0x2FFFF;
	_ =	strace $0x9FFFFFFF  }
0xc2: {  	(tm) =	ssettm $0x7FFFFFFF  }
0xc3: {  	_ =	shalt  }
tec
execute0_lowered:
.L_overlay_start_1:
0x0: {  	(tag) =	ssettag $0x1  }
0x1: {  	s0 =	rddreg [dreg:$0x0]  }
0x2: {  	s1 =	rddreg [dreg:$0x1]  }
0x3: {  	s2 =	simm.s32 $0x0;
	s3 =	srdreg.scid;
	s5 =	stileid.u32  }
0x4: {  	s10 =	simm.s32 $0x900;
	s11 =	simm.s32 $0x1100;
	s12 =	simm.s32 $0x1900  }
0x5: {  	s13 =	simm.s32 $0x2100;
	s14 =	simm.s32 $0x2900;
	s15 =	simm.s32 $0x3100  }
0x6: {  	s16 =	simm.s32 $0x3900;
	s17 =	simm.s32 $0x4100;
	s18 =	simm.s32 $0x4900  }
0x7: {  	s19 =	simm.s32 $0x5100;
	s20 =	simm.s32 $0x5900;
	s21 =	simm.s32 $0x6100  }
0x8: {  	s22 =	simm.s32 $0x6900;
	s23 =	simm.s32 $0x7100;
	s24 =	simm.s32 $0x7900  }
0x9: {  	s28 =	simm.s32 $0x9100;
	s29 =	simm.s32 $0x9900;
	s30 =	simm.s32 $0xA100  }
0xa: {  	s31 =	simm.s32 $0xA900;
	[smem:$0x7FF] =	sst s2;
	s4 =	sand.u32 $0x1, s3  }
0xb: {  	s25 =	sshll.u32 s5, $0x1;
	s3 =	sadd.s32 $0x21C00, s0;
	_ =	strace $0x8000004A  }
0xc: {  	s5 =	sor.u32 s4, s25;
	s4 =	ssub.s32 $0x2, s4;
	s25 =	simm.s32 $0x8100  }
0xd: {  	s6 =	sshll.u32 s5, $0x5;
	s7 =	smul.u32 $0x30000, s5;
	s8 =	sshrl.u32 s4, $0x1  }
0xe: {  	s5 =	smul.u32 $0x6000, s5;
	s6 =	sadd.s32 s6, s0;
	s26 =	ssub.s32 s4, s8  }
0xf: {  	s4 =	sadd.s32 $0x21D00, s0;
	s8 =	simm.s32 $0xB900;
	s6 =	sadd.s32 $0x21800, s6  }
0x10: {  	s7 =	sshrl.u32 s7, $0x3;
	s5 =	sadd.s32 s1, s5;
	[dreg:$0x3] =	wrdreg s6  }
0x11: {  	v2 =	vlaneseq.u32;
	s1 =	sadd.s32 s1, s7;
	[dreg:$0x4] =	wrdreg s5;
	s5 =	sadd.s32 $0x21E00, s0  }
0x12: {  	vm0 =	vmmov $0xffff;
	v1 =	vshrl.u32 v2, $0x3;
	s6 =	smax.u32 s26, $0x1;
	s7 =	simm.s32 $0x2;
	s1 =	sadd.s32 $0x3000, s1  }
0x13: {  	v0 =	vand.u32 $0x7, v2;
	v2 =	vor.u32 $0x8, v2;
	v1 =	vmul.u32 $0x8, v1;
	s26 =	simm.s32 $0x8900;
	[dreg:$0x5] =	wrdreg s1;
	s1 =	simm.s32 $0x1  }
.LBB2_1:
0x14: {  	s9 =	rddreg [dreg:$0x3]  }
0x15: {  	[tilespmem:s2], [sflag:$0x2] =	stream.linear.gather [hbm4b:s9+s2], $0x100, $0x38;
	[tilespmem:$0x18100] =	vst v63  }
0x16: {  	_ =	swait.ge [sflag:s7], $0x100  }
0x17: {  	[sflag:s7] =	ssyncset.done $0x0  }
0x18: {  	[sflag:s7] =	ssyncadd.s32 $0xFFFFFF00  }
0x19: {  	v3 =	vld [tilespmem:$0x0];
	_ =	sdelay $0x4  }
0x1a: {  	v4 =	vshrl.u32 v3, $0x3  }
0x1b: {  	v4 =	vmul.u32 $0x30, v4  }
0x1c: {  	v3 =	vand.u32 $0x7, v3  }
0x1d: {  	v3 =	vor.u32 v3, v4  }
0x1e: {  	v4 =	vperm.xlane v3, v0;
	_ =	sdelay $0x1  }
0x1f: {  	v4 =	vadd.s32 v1, v4;
	_ =	sdelay $0x3  }
0x20: {  	s0 =	simm.s32 $0x100;
	v3 =	vperm.xlane v3, v2  }
0x21: {  	[tilespmem:s0], [sflag:$0x1] =	stream.indirect_vreg.gather [hbm4b:s3+s2], $0x80, v4, vm0, $0xb8;
	[tilespmem:$0x18100] =	vst v63  }
0x22: {  	v3 =	vadd.s32 v1, v3  }
0x23: {  	[tilespmem:s10], [sflag:$0x1] =	stream.indirect_vreg.gather [hbm4b:s4+s2], $0x80, v4, vm0, $0xb8;
	[tilespmem:$0x18100] =	vst v63  }
0x24: {  	_ = 	snop  }
0x25: {  	[tilespmem:s11], [sflag:$0x1] =	stream.indirect_vreg.gather [hbm4b:s5+s2], $0x80, v4, vm0, $0xb8;
	[tilespmem:$0x18100] =	vst v63  }
0x26: {  	_ = 	snop  }
0x27: {  	[tilespmem:s12], [sflag:$0x1] =	stream.indirect_vreg.gather [hbm4b:s3+s2], $0x80, v3, vm0, $0xb8;
	[tilespmem:$0x18100] =	vst v63  }
0x28: {  	_ = 	snop  }
0x29: {  	[tilespmem:s13], [sflag:$0x1] =	stream.indirect_vreg.gather [hbm4b:s4+s2], $0x80, v3, vm0, $0xb8;
	[tilespmem:$0x18100] =	vst v63  }
0x2a: {  	_ = 	snop  }
0x2b: {  	[tilespmem:s14], [sflag:$0x1] =	stream.indirect_vreg.gather [hbm4b:s5+s2], $0x80, v3, vm0, $0xb8;
	[tilespmem:$0x18100] =	vst v63  }
0x2c: {  	v3 =	vld [tilespmem:$0x10];
	_ =	sdelay $0x4  }
0x2d: {  	v49 =	vshrl.u32 v3, $0x3  }
0x2e: {  	v4 =	vmul.u32 $0x30, v49  }
0x2f: {  	v3 =	vand.u32 $0x7, v3  }
0x30: {  	v3 =	vor.u32 v3, v4  }
0x31: {  	v4 =	vperm.xlane v3, v0;
	_ =	sdelay $0x1  }
0x32: {  	v4 =	vadd.s32 v1, v4;
	_ =	sdelay $0x3  }
0x33: {  	v3 =	vperm.xlane v3, v2  }
0x34: {  	[tilespmem:s15], [sflag:$0x1] =	stream.indirect_vreg.gather [hbm4b:s3+s2], $0x80, v4, vm0, $0xb8;
	[tilespmem:$0x18100] =	vst v63  }
0x35: {  	v3 =	vadd.s32 v1, v3  }
0x36: {  	[tilespmem:s16], [sflag:$0x1] =	stream.indirect_vreg.gather [hbm4b:s4+s2], $0x80, v4, vm0, $0xb8;
	[tilespmem:$0x18100] =	vst v63  }
0x37: {  	_ = 	snop  }
0x38: {  	[tilespmem:s17], [sflag:$0x1] =	stream.indirect_vreg.gather [hbm4b:s5+s2], $0x80, v4, vm0, $0xb8;
	[tilespmem:$0x18100] =	vst v63  }
0x39: {  	_ = 	snop  }
0x3a: {  	[tilespmem:s18], [sflag:$0x1] =	stream.indirect_vreg.gather [hbm4b:s3+s2], $0x80, v3, vm0, $0xb8;
	[tilespmem:$0x18100] =	vst v63  }
0x3b: {  	_ = 	snop  }
0x3c: {  	[tilespmem:s19], [sflag:$0x1] =	stream.indirect_vreg.gather [hbm4b:s4+s2], $0x80, v3, vm0, $0xb8;
	[tilespmem:$0x18100] =	vst v63  }
0x3d: {  	_ = 	snop  }
0x3e: {  	[tilespmem:s20], [sflag:$0x1] =	stream.indirect_vreg.gather [hbm4b:s5+s2], $0x80, v3, vm0, $0xb8;
	[tilespmem:$0x18100] =	vst v63  }
0x3f: {  	v3 =	vld [tilespmem:$0x20];
	_ =	sdelay $0x4  }
0x40: {  	v50 =	vshrl.u32 v3, $0x3  }
0x41: {  	v4 =	vmul.u32 $0x30, v50  }
0x42: {  	v3 =	vand.u32 $0x7, v3  }
0x43: {  	v3 =	vor.u32 v3, v4  }
0x44: {  	v4 =	vperm.xlane v3, v0;
	_ =	sdelay $0x1  }
0x45: {  	v4 =	vadd.s32 v1, v4;
	_ =	sdelay $0x3  }
0x46: {  	v3 =	vperm.xlane v3, v2  }
0x47: {  	[tilespmem:s21], [sflag:$0x1] =	stream.indirect_vreg.gather [hbm4b:s3+s2], $0x80, v4, vm0, $0xb8;
	[tilespmem:$0x18100] =	vst v63  }
0x48: {  	v3 =	vadd.s32 v1, v3  }
0x49: {  	[tilespmem:s22], [sflag:$0x1] =	stream.indirect_vreg.gather [hbm4b:s4+s2], $0x80, v4, vm0, $0xb8;
	[tilespmem:$0x18100] =	vst v63  }
0x4a: {  	_ = 	snop  }
0x4b: {  	[tilespmem:s23], [sflag:$0x1] =	stream.indirect_vreg.gather [hbm4b:s5+s2], $0x80, v4, vm0, $0xb8;
	[tilespmem:$0x18100] =	vst v63  }
0x4c: {  	_ = 	snop  }
0x4d: {  	[tilespmem:s24], [sflag:$0x1] =	stream.indirect_vreg.gather [hbm4b:s3+s2], $0x80, v3, vm0, $0xb8;
	[tilespmem:$0x18100] =	vst v63  }
0x4e: {  	_ = 	snop  }
0x4f: {  	[tilespmem:s25], [sflag:$0x1] =	stream.indirect_vreg.gather [hbm4b:s4+s2], $0x80, v3, vm0, $0xb8;
	[tilespmem:$0x18100] =	vst v63  }
0x50: {  	_ = 	snop  }
0x51: {  	[tilespmem:s26], [sflag:$0x1] =	stream.indirect_vreg.gather [hbm4b:s5+s2], $0x80, v3, vm0, $0xb8;
	[tilespmem:$0x18100] =	vst v63  }
0x52: {  	v3 =	vld [tilespmem:$0x30];
	_ =	sdelay $0x4  }
0x53: {  	v51 =	vshrl.u32 v3, $0x3  }
0x54: {  	v4 =	vmul.u32 $0x30, v51  }
0x55: {  	v3 =	vand.u32 $0x7, v3  }
0x56: {  	v3 =	vor.u32 v3, v4  }
0x57: {  	v4 =	vperm.xlane v3, v0;
	_ =	sdelay $0x1  }
0x58: {  	v4 =	vadd.s32 v1, v4;
	_ =	sdelay $0x3  }
0x59: {  	v3 =	vperm.xlane v3, v2  }
0x5a: {  	[tilespmem:s28], [sflag:$0x1] =	stream.indirect_vreg.gather [hbm4b:s3+s2], $0x80, v4, vm0, $0xb8;
	[tilespmem:$0x18100] =	vst v63  }
0x5b: {  	v3 =	vadd.s32 v1, v3  }
0x5c: {  	[tilespmem:s29], [sflag:$0x1] =	stream.indirect_vreg.gather [hbm4b:s4+s2], $0x80, v4, vm0, $0xb8;
	[tilespmem:$0x18100] =	vst v63  }
0x5d: {  	_ = 	snop  }
0x5e: {  	[tilespmem:s30], [sflag:$0x1] =	stream.indirect_vreg.gather [hbm4b:s5+s2], $0x80, v4, vm0, $0xb8;
	[tilespmem:$0x18100] =	vst v63  }
0x5f: {  	_ = 	snop  }
0x60: {  	[tilespmem:s31], [sflag:$0x1] =	stream.indirect_vreg.gather [hbm4b:s3+s2], $0x80, v3, vm0, $0xb8;
	[tilespmem:$0x18100] =	vst v63  }
0x61: {  	s9 =	simm.s32 $0xB100  }
0x62: {  	[tilespmem:s9], [sflag:$0x1] =	stream.indirect_vreg.gather [hbm4b:s4+s2], $0x80, v3, vm0, $0xb8;
	[tilespmem:$0x18100] =	vst v63  }
0x63: {  	_ = 	snop  }
0x64: {  	[tilespmem:s8], [sflag:$0x1] =	stream.indirect_vreg.gather [hbm4b:s5+s2], $0x80, v3, vm0, $0xb8;
	[tilespmem:$0x18100] =	vst v63  }
0x65: {  	v3 =	vld [tilespmem:$0x40];
	_ =	sdelay $0x4  }
0x66: {  	v52 =	vshrl.u32 v3, $0x3  }
0x67: {  	v4 =	vmul.u32 $0x30, v52  }
0x68: {  	v3 =	vand.u32 $0x7, v3  }
0x69: {  	v3 =	vor.u32 v3, v4  }
0x6a: {  	v4 =	vperm.xlane v3, v0;
	_ =	sdelay $0x1  }
0x6b: {  	v4 =	vadd.s32 v1, v4;
	_ =	sdelay $0x3  }
0x6c: {  	s9 =	simm.s32 $0xC100;
	v3 =	vperm.xlane v3, v2  }
0x6d: {  	[tilespmem:s9], [sflag:$0x1] =	stream.indirect_vreg.gather [hbm4b:s3+s2], $0x80, v4, vm0, $0xb8;
	[tilespmem:$0x18100] =	vst v63  }
0x6e: {  	v3 =	vadd.s32 v1, v3;
	s9 =	simm.s32 $0xC900  }
0x6f: {  	[tilespmem:s9], [sflag:$0x1] =	stream.indirect_vreg.gather [hbm4b:s4+s2], $0x80, v4, vm0, $0xb8;
	[tilespmem:$0x18100] =	vst v63  }
0x70: {  	s9 =	simm.s32 $0xD100  }
0x71: {  	[tilespmem:s9], [sflag:$0x1] =	stream.indirect_vreg.gather [hbm4b:s5+s2], $0x80, v4, vm0, $0xb8;
	[tilespmem:$0x18100] =	vst v63  }
0x72: {  	s9 =	simm.s32 $0xD900  }
0x73: {  	[tilespmem:s9], [sflag:$0x1] =	stream.indirect_vreg.gather [hbm4b:s3+s2], $0x80, v3, vm0, $0xb8;
	[tilespmem:$0x18100] =	vst v63  }
0x74: {  	s9 =	simm.s32 $0xE100  }
0x75: {  	[tilespmem:s9], [sflag:$0x1] =	stream.indirect_vreg.gather [hbm4b:s4+s2], $0x80, v3, vm0, $0xb8;
	[tilespmem:$0x18100] =	vst v63  }
0x76: {  	s9 =	simm.s32 $0xE900  }
0x77: {  	[tilespmem:s9], [sflag:$0x1] =	stream.indirect_vreg.gather [hbm4b:s5+s2], $0x80, v3, vm0, $0xb8;
	[tilespmem:$0x18100] =	vst v63  }
0x78: {  	v3 =	vld [tilespmem:$0x50];
	_ =	sdelay $0x4  }
0x79: {  	v53 =	vshrl.u32 v3, $0x3  }
0x7a: {  	v4 =	vmul.u32 $0x30, v53  }
0x7b: {  	v3 =	vand.u32 $0x7, v3  }
0x7c: {  	v3 =	vor.u32 v3, v4  }
0x7d: {  	v4 =	vperm.xlane v3, v0;
	_ =	sdelay $0x1  }
0x7e: {  	v4 =	vadd.s32 v1, v4;
	_ =	sdelay $0x3  }
0x7f: {  	s9 =	simm.s32 $0xF100;
	v3 =	vperm.xlane v3, v2  }
0x80: {  	[tilespmem:s9], [sflag:$0x1] =	stream.indirect_vreg.gather [hbm4b:s3+s2], $0x80, v4, vm0, $0xb8;
	[tilespmem:$0x18100] =	vst v63  }
0x81: {  	v3 =	vadd.s32 v1, v3;
	s9 =	simm.s32 $0xF900  }
0x82: {  	[tilespmem:s9], [sflag:$0x1] =	stream.indirect_vreg.gather [hbm4b:s4+s2], $0x80, v4, vm0, $0xb8;
	[tilespmem:$0x18100] =	vst v63  }
0x83: {  	s9 =	simm.s32 $0x10100  }
0x84: {  	[tilespmem:s9], [sflag:$0x1] =	stream.indirect_vreg.gather [hbm4b:s5+s2], $0x80, v4, vm0, $0xb8;
	[tilespmem:$0x18100] =	vst v63  }
0x85: {  	s9 =	simm.s32 $0x10900  }
0x86: {  	[tilespmem:s9], [sflag:$0x1] =	stream.indirect_vreg.gather [hbm4b:s3+s2], $0x80, v3, vm0, $0xb8;
	[tilespmem:$0x18100] =	vst v63  }
0x87: {  	s9 =	simm.s32 $0x11100  }
0x88: {  	[tilespmem:s9], [sflag:$0x1] =	stream.indirect_vreg.gather [hbm4b:s4+s2], $0x80, v3, vm0, $0xb8;
	[tilespmem:$0x18100] =	vst v63  }
0x89: {  	s9 =	simm.s32 $0x11900  }
0x8a: {  	[tilespmem:s9], [sflag:$0x1] =	stream.indirect_vreg.gather [hbm4b:s5+s2], $0x80, v3, vm0, $0xb8;
	[tilespmem:$0x18100] =	vst v63  }
0x8b: {  	v3 =	vld [tilespmem:$0x60];
	_ =	sdelay $0x4  }
0x8c: {  	v54 =	vshrl.u32 v3, $0x3  }
0x8d: {  	v4 =	vmul.u32 $0x30, v54  }
0x8e: {  	v3 =	vand.u32 $0x7, v3  }
0x8f: {  	v3 =	vor.u32 v3, v4  }
0x90: {  	v4 =	vperm.xlane v3, v0;
	_ =	sdelay $0x1  }
0x91: {  	v4 =	vadd.s32 v1, v4;
	_ =	sdelay $0x3  }
0x92: {  	s9 =	simm.s32 $0x12100;
	v3 =	vperm.xlane v3, v2  }
0x93: {  	[tilespmem:s9], [sflag:$0x1] =	stream.indirect_vreg.gather [hbm4b:s3+s2], $0x80, v4, vm0, $0xb8;
	[tilespmem:$0x18100] =	vst v63  }
0x94: {  	v3 =	vadd.s32 v1, v3;
	s9 =	simm.s32 $0x12900  }
0x95: {  	[tilespmem:s9], [sflag:$0x1] =	stream.indirect_vreg.gather [hbm4b:s4+s2], $0x80, v4, vm0, $0xb8;
	[tilespmem:$0x18100] =	vst v63  }
0x96: {  	s9 =	simm.s32 $0x13100  }
0x97: {  	[tilespmem:s9], [sflag:$0x1] =	stream.indirect_vreg.gather [hbm4b:s5+s2], $0x80, v4, vm0, $0xb8;
	[tilespmem:$0x18100] =	vst v63  }
0x98: {  	s9 =	simm.s32 $0x13900  }
0x99: {  	[tilespmem:s9], [sflag:$0x1] =	stream.indirect_vreg.gather [hbm4b:s3+s2], $0x80, v3, vm0, $0xb8;
	[tilespmem:$0x18100] =	vst v63  }
0x9a: {  	s9 =	simm.s32 $0x14100  }
0x9b: {  	[tilespmem:s9], [sflag:$0x1] =	stream.indirect_vreg.gather [hbm4b:s4+s2], $0x80, v3, vm0, $0xb8;
	[tilespmem:$0x18100] =	vst v63  }
0x9c: {  	s9 =	simm.s32 $0x14900  }
0x9d: {  	[tilespmem:s9], [sflag:$0x1] =	stream.indirect_vreg.gather [hbm4b:s5+s2], $0x80, v3, vm0, $0xb8;
	[tilespmem:$0x18100] =	vst v63  }
0x9e: {  	v3 =	vld [tilespmem:$0x70];
	_ =	sdelay $0x4  }
0x9f: {  	v55 =	vshrl.u32 v3, $0x3  }
0xa0: {  	v4 =	vmul.u32 $0x30, v55  }
0xa1: {  	v3 =	vand.u32 $0x7, v3  }
0xa2: {  	v3 =	vor.u32 v3, v4  }
0xa3: {  	v4 =	vperm.xlane v3, v0;
	_ =	sdelay $0x1  }
0xa4: {  	v4 =	vadd.s32 v1, v4;
	_ =	sdelay $0x3  }
0xa5: {  	s9 =	simm.s32 $0x15100;
	v3 =	vperm.xlane v3, v2  }
0xa6: {  	[tilespmem:s9], [sflag:$0x1] =	stream.indirect_vreg.gather [hbm4b:s3+s2], $0x80, v4, vm0, $0xb8;
	[tilespmem:$0x18100] =	vst v63  }
0xa7: {  	v3 =	vadd.s32 v1, v3;
	s9 =	simm.s32 $0x15900  }
0xa8: {  	[tilespmem:s9], [sflag:$0x1] =	stream.indirect_vreg.gather [hbm4b:s4+s2], $0x80, v4, vm0, $0xb8;
	[tilespmem:$0x18100] =	vst v63  }
0xa9: {  	s9 =	simm.s32 $0x16100  }
0xaa: {  	[tilespmem:s9], [sflag:$0x1] =	stream.indirect_vreg.gather [hbm4b:s5+s2], $0x80, v4, vm0, $0xb8;
	[tilespmem:$0x18100] =	vst v63  }
0xab: {  	s9 =	simm.s32 $0x16900  }
0xac: {  	[tilespmem:s9], [sflag:$0x1] =	stream.indirect_vreg.gather [hbm4b:s3+s2], $0x80, v3, vm0, $0xb8;
	[tilespmem:$0x18100] =	vst v63  }
0xad: {  	s9 =	simm.s32 $0x17100  }
0xae: {  	[tilespmem:s9], [sflag:$0x1] =	stream.indirect_vreg.gather [hbm4b:s4+s2], $0x80, v3, vm0, $0xb8;
	[tilespmem:$0x18100] =	vst v63  }
0xaf: {  	s9 =	simm.s32 $0x17900  }
0xb0: {  	[tilespmem:s9], [sflag:$0x1] =	stream.indirect_vreg.gather [hbm4b:s5+s2], $0x80, v3, vm0, $0xb8;
	[tilespmem:$0x18100] =	vst v63  }
0xb1: {  	_ =	swait.ge [sflag:s1], $0x18000  }
0xb2: {  	[sflag:s1] =	ssyncset.done $0x0  }
0xb3: {  	s0 =	simm.s32 $0x100;
	s9 =	rddreg [dreg:$0x4];
	[sflag:s1] =	ssyncadd.s32 $0xFFFE8000  }
0xb4: {  	[hbm4b:s9+s2] =	stream.linear.scatter [tilespmem:s0], [sflag:$0x2], $0x18000, $0x38;
	[tilespmem:$0x18100] =	vst v63  }
0xb5: {  	_ =	swait.ge [sflag:s7], $0x18000  }
0xb6: {  	[sflag:s7] =	ssyncset.done $0x0  }
0xb7: {  	[sflag:s7] =	ssyncadd.s32 $0xFFFE8000  }
0xb8: {  	v3 =	vld [tilespmem:$0x80];
	_ =	sdelay $0x4  }
0xb9: {  	v56 =	vshrl.u32 v3, $0x3  }
0xba: {  	v4 =	vmul.u32 $0x30, v56  }
0xbb: {  	v3 =	vand.u32 $0x7, v3  }
0xbc: {  	v3 =	vor.u32 v3, v4  }
0xbd: {  	v4 =	vperm.xlane v3, v0;
	_ =	sdelay $0x1  }
0xbe: {  	v4 =	vadd.s32 v1, v4;
	_ =	sdelay $0x3  }
0xbf: {  	v3 =	vperm.xlane v3, v2  }
0xc0: {  	[tilespmem:s0], [sflag:$0x1] =	stream.indirect_vreg.gather [hbm4b:s3+s2], $0x80, v4, vm0, $0xb8;
	[tilespmem:$0x18100] =	vst v63  }
0xc1: {  	v3 =	vadd.s32 v1, v3  }
0xc2: {  	[tilespmem:s10], [sflag:$0x1] =	stream.indirect_vreg.gather [hbm4b:s4+s2], $0x80, v4, vm0, $0xb8;
	[tilespmem:$0x18100] =	vst v63  }
0xc3: {  	_ = 	snop  }
0xc4: {  	[tilespmem:s11], [sflag:$0x1] =	stream.indirect_vreg.gather [hbm4b:s5+s2], $0x80, v4, vm0, $0xb8;
	[tilespmem:$0x18100] =	vst v63  }
0xc5: {  	_ = 	snop  }
0xc6: {  	[tilespmem:s12], [sflag:$0x1] =	stream.indirect_vreg.gather [hbm4b:s3+s2], $0x80, v3, vm0, $0xb8;
	[tilespmem:$0x18100] =	vst v63  }
0xc7: {  	_ = 	snop  }
0xc8: {  	[tilespmem:s13], [sflag:$0x1] =	stream.indirect_vreg.gather [hbm4b:s4+s2], $0x80, v3, vm0, $0xb8;
	[tilespmem:$0x18100] =	vst v63  }
0xc9: {  	_ = 	snop  }
0xca: {  	[tilespmem:s14], [sflag:$0x1] =	stream.indirect_vreg.gather [hbm4b:s5+s2], $0x80, v3, vm0, $0xb8;
	[tilespmem:$0x18100] =	vst v63  }
0xcb: {  	v3 =	vld [tilespmem:$0x90];
	_ =	sdelay $0x4  }
0xcc: {  	v57 =	vshrl.u32 v3, $0x3  }
0xcd: {  	v4 =	vmul.u32 $0x30, v57  }
0xce: {  	v3 =	vand.u32 $0x7, v3  }
0xcf: {  	v3 =	vor.u32 v3, v4  }
0xd0: {  	v4 =	vperm.xlane v3, v0;
	_ =	sdelay $0x1  }
0xd1: {  	v4 =	vadd.s32 v1, v4;
	_ =	sdelay $0x3  }
0xd2: {  	v3 =	vperm.xlane v3, v2  }
0xd3: {  	[tilespmem:s15], [sflag:$0x1] =	stream.indirect_vreg.gather [hbm4b:s3+s2], $0x80, v4, vm0, $0xb8;
	[tilespmem:$0x18100] =	vst v63  }
0xd4: {  	v3 =	vadd.s32 v1, v3  }
0xd5: {  	[tilespmem:s16], [sflag:$0x1] =	stream.indirect_vreg.gather [hbm4b:s4+s2], $0x80, v4, vm0, $0xb8;
	[tilespmem:$0x18100] =	vst v63  }
0xd6: {  	_ = 	snop  }
0xd7: {  	[tilespmem:s17], [sflag:$0x1] =	stream.indirect_vreg.gather [hbm4b:s5+s2], $0x80, v4, vm0, $0xb8;
	[tilespmem:$0x18100] =	vst v63  }
0xd8: {  	_ = 	snop  }
0xd9: {  	[tilespmem:s18], [sflag:$0x1] =	stream.indirect_vreg.gather [hbm4b:s3+s2], $0x80, v3, vm0, $0xb8;
	[tilespmem:$0x18100] =	vst v63  }
0xda: {  	_ = 	snop  }
0xdb: {  	[tilespmem:s19], [sflag:$0x1] =	stream.indirect_vreg.gather [hbm4b:s4+s2], $0x80, v3, vm0, $0xb8;
	[tilespmem:$0x18100] =	vst v63  }
0xdc: {  	_ = 	snop  }
0xdd: {  	[tilespmem:s20], [sflag:$0x1] =	stream.indirect_vreg.gather [hbm4b:s5+s2], $0x80, v3, vm0, $0xb8;
	[tilespmem:$0x18100] =	vst v63  }
0xde: {  	v3 =	vld [tilespmem:$0xA0];
	_ =	sdelay $0x4  }
0xdf: {  	v58 =	vshrl.u32 v3, $0x3  }
0xe0: {  	v4 =	vmul.u32 $0x30, v58  }
0xe1: {  	v3 =	vand.u32 $0x7, v3  }
0xe2: {  	v3 =	vor.u32 v3, v4  }
0xe3: {  	v4 =	vperm.xlane v3, v0;
	_ =	sdelay $0x1  }
0xe4: {  	v4 =	vadd.s32 v1, v4;
	_ =	sdelay $0x3  }
0xe5: {  	v3 =	vperm.xlane v3, v2  }
0xe6: {  	[tilespmem:s21], [sflag:$0x1] =	stream.indirect_vreg.gather [hbm4b:s3+s2], $0x80, v4, vm0, $0xb8;
	[tilespmem:$0x18100] =	vst v63  }
0xe7: {  	v3 =	vadd.s32 v1, v3  }
0xe8: {  	[tilespmem:s22], [sflag:$0x1] =	stream.indirect_vreg.gather [hbm4b:s4+s2], $0x80, v4, vm0, $0xb8;
	[tilespmem:$0x18100] =	vst v63  }
0xe9: {  	_ = 	snop  }
0xea: {  	[tilespmem:s23], [sflag:$0x1] =	stream.indirect_vreg.gather [hbm4b:s5+s2], $0x80, v4, vm0, $0xb8;
	[tilespmem:$0x18100] =	vst v63  }
0xeb: {  	_ = 	snop  }
0xec: {  	[tilespmem:s24], [sflag:$0x1] =	stream.indirect_vreg.gather [hbm4b:s3+s2], $0x80, v3, vm0, $0xb8;
	[tilespmem:$0x18100] =	vst v63  }
0xed: {  	_ = 	snop  }
0xee: {  	[tilespmem:s25], [sflag:$0x1] =	stream.indirect_vreg.gather [hbm4b:s4+s2], $0x80, v3, vm0, $0xb8;
	[tilespmem:$0x18100] =	vst v63  }
0xef: {  	_ = 	snop  }
0xf0: {  	[tilespmem:s26], [sflag:$0x1] =	stream.indirect_vreg.gather [hbm4b:s5+s2], $0x80, v3, vm0, $0xb8;
	[tilespmem:$0x18100] =	vst v63  }
0xf1: {  	v3 =	vld [tilespmem:$0xB0];
	_ =	sdelay $0x4  }
0xf2: {  	v59 =	vshrl.u32 v3, $0x3  }
0xf3: {  	v4 =	vmul.u32 $0x30, v59  }
0xf4: {  	v3 =	vand.u32 $0x7, v3  }
0xf5: {  	v3 =	vor.u32 v3, v4  }
0xf6: {  	v4 =	vperm.xlane v3, v0;
	_ =	sdelay $0x1  }
0xf7: {  	v4 =	vadd.s32 v1, v4;
	_ =	sdelay $0x3  }
0xf8: {  	v3 =	vperm.xlane v3, v2  }
0xf9: {  	[tilespmem:s28], [sflag:$0x1] =	stream.indirect_vreg.gather [hbm4b:s3+s2], $0x80, v4, vm0, $0xb8;
	[tilespmem:$0x18100] =	vst v63  }
0xfa: {  	v3 =	vadd.s32 v1, v3  }
0xfb: {  	[tilespmem:s29], [sflag:$0x1] =	stream.indirect_vreg.gather [hbm4b:s4+s2], $0x80, v4, vm0, $0xb8;
	[tilespmem:$0x18100] =	vst v63  }
0xfc: {  	_ = 	snop  }
0xfd: {  	[tilespmem:s30], [sflag:$0x1] =	stream.indirect_vreg.gather [hbm4b:s5+s2], $0x80, v4, vm0, $0xb8;
	[tilespmem:$0x18100] =	vst v63  }
0xfe: {  	_ = 	snop  }
0xff: {  	[tilespmem:s31], [sflag:$0x1] =	stream.indirect_vreg.gather [hbm4b:s3+s2], $0x80, v3, vm0, $0xb8;
	[tilespmem:$0x18100] =	vst v63  }
0x100: {  	s9 =	simm.s32 $0xB100  }
0x101: {  	[tilespmem:s9], [sflag:$0x1] =	stream.indirect_vreg.gather [hbm4b:s4+s2], $0x80, v3, vm0, $0xb8;
	[tilespmem:$0x18100] =	vst v63  }
0x102: {  	_ = 	snop  }
0x103: {  	[tilespmem:s8], [sflag:$0x1] =	stream.indirect_vreg.gather [hbm4b:s5+s2], $0x80, v3, vm0, $0xb8;
	[tilespmem:$0x18100] =	vst v63  }
0x104: {  	v3 =	vld [tilespmem:$0xC0];
	_ =	sdelay $0x4  }
0x105: {  	v60 =	vshrl.u32 v3, $0x3  }
0x106: {  	v4 =	vmul.u32 $0x30, v60  }
0x107: {  	v3 =	vand.u32 $0x7, v3  }
0x108: {  	v3 =	vor.u32 v3, v4  }
0x109: {  	v4 =	vperm.xlane v3, v0;
	_ =	sdelay $0x1  }
0x10a: {  	v4 =	vadd.s32 v1, v4;
	_ =	sdelay $0x3  }
0x10b: {  	s9 =	simm.s32 $0xC100;
	v3 =	vperm.xlane v3, v2  }
0x10c: {  	[tilespmem:s9], [sflag:$0x1] =	stream.indirect_vreg.gather [hbm4b:s3+s2], $0x80, v4, vm0, $0xb8;
	[tilespmem:$0x18100] =	vst v63  }
0x10d: {  	v3 =	vadd.s32 v1, v3;
	s9 =	simm.s32 $0xC900  }
0x10e: {  	[tilespmem:s9], [sflag:$0x1] =	stream.indirect_vreg.gather [hbm4b:s4+s2], $0x80, v4, vm0, $0xb8;
	[tilespmem:$0x18100] =	vst v63  }
0x10f: {  	s9 =	simm.s32 $0xD100  }
0x110: {  	[tilespmem:s9], [sflag:$0x1] =	stream.indirect_vreg.gather [hbm4b:s5+s2], $0x80, v4, vm0, $0xb8;
	[tilespmem:$0x18100] =	vst v63  }
0x111: {  	s9 =	simm.s32 $0xD900  }
0x112: {  	[tilespmem:s9], [sflag:$0x1] =	stream.indirect_vreg.gather [hbm4b:s3+s2], $0x80, v3, vm0, $0xb8;
	[tilespmem:$0x18100] =	vst v63  }
0x113: {  	s9 =	simm.s32 $0xE100  }
0x114: {  	[tilespmem:s9], [sflag:$0x1] =	stream.indirect_vreg.gather [hbm4b:s4+s2], $0x80, v3, vm0, $0xb8;
	[tilespmem:$0x18100] =	vst v63  }
0x115: {  	s9 =	simm.s32 $0xE900  }
0x116: {  	[tilespmem:s9], [sflag:$0x1] =	stream.indirect_vreg.gather [hbm4b:s5+s2], $0x80, v3, vm0, $0xb8;
	[tilespmem:$0x18100] =	vst v63  }
0x117: {  	v3 =	vld [tilespmem:$0xD0];
	_ =	sdelay $0x4  }
0x118: {  	v61 =	vshrl.u32 v3, $0x3  }
0x119: {  	v4 =	vmul.u32 $0x30, v61  }
0x11a: {  	v3 =	vand.u32 $0x7, v3  }
0x11b: {  	v3 =	vor.u32 v3, v4  }
0x11c: {  	v4 =	vperm.xlane v3, v0;
	_ =	sdelay $0x1  }
0x11d: {  	v4 =	vadd.s32 v1, v4;
	_ =	sdelay $0x3  }
0x11e: {  	s9 =	simm.s32 $0xF100;
	v3 =	vperm.xlane v3, v2  }
0x11f: {  	[tilespmem:s9], [sflag:$0x1] =	stream.indirect_vreg.gather [hbm4b:s3+s2], $0x80, v4, vm0, $0xb8;
	[tilespmem:$0x18100] =	vst v63  }
0x120: {  	v3 =	vadd.s32 v1, v3;
	s9 =	simm.s32 $0xF900  }
0x121: {  	[tilespmem:s9], [sflag:$0x1] =	stream.indirect_vreg.gather [hbm4b:s4+s2], $0x80, v4, vm0, $0xb8;
	[tilespmem:$0x18100] =	vst v63  }
0x122: {  	s9 =	simm.s32 $0x10100  }
0x123: {  	[tilespmem:s9], [sflag:$0x1] =	stream.indirect_vreg.gather [hbm4b:s5+s2], $0x80, v4, vm0, $0xb8;
	[tilespmem:$0x18100] =	vst v63  }
0x124: {  	s9 =	simm.s32 $0x10900  }
0x125: {  	[tilespmem:s9], [sflag:$0x1] =	stream.indirect_vreg.gather [hbm4b:s3+s2], $0x80, v3, vm0, $0xb8;
	[tilespmem:$0x18100] =	vst v63  }
0x126: {  	s9 =	simm.s32 $0x11100  }
0x127: {  	[tilespmem:s9], [sflag:$0x1] =	stream.indirect_vreg.gather [hbm4b:s4+s2], $0x80, v3, vm0, $0xb8;
	[tilespmem:$0x18100] =	vst v63  }
0x128: {  	s9 =	simm.s32 $0x11900  }
0x129: {  	[tilespmem:s9], [sflag:$0x1] =	stream.indirect_vreg.gather [hbm4b:s5+s2], $0x80, v3, vm0, $0xb8;
	[tilespmem:$0x18100] =	vst v63  }
0x12a: {  	v3 =	vld [tilespmem:$0xE0];
	_ =	sdelay $0x4  }
0x12b: {  	v62 =	vshrl.u32 v3, $0x3  }
0x12c: {  	v4 =	vmul.u32 $0x30, v62  }
0x12d: {  	v3 =	vand.u32 $0x7, v3  }
0x12e: {  	v3 =	vor.u32 v3, v4  }
0x12f: {  	v4 =	vperm.xlane v3, v0;
	_ =	sdelay $0x1  }
0x130: {  	v4 =	vadd.s32 v1, v4;
	_ =	sdelay $0x3  }
0x131: {  	s9 =	simm.s32 $0x12100;
	v3 =	vperm.xlane v3, v2  }
0x132: {  	[tilespmem:s9], [sflag:$0x1] =	stream.indirect_vreg.gather [hbm4b:s3+s2], $0x80, v4, vm0, $0xb8;
	[tilespmem:$0x18100] =	vst v63  }
0x133: {  	v3 =	vadd.s32 v1, v3;
	s9 =	simm.s32 $0x12900  }
0x134: {  	[tilespmem:s9], [sflag:$0x1] =	stream.indirect_vreg.gather [hbm4b:s4+s2], $0x80, v4, vm0, $0xb8;
	[tilespmem:$0x18100] =	vst v63  }
0x135: {  	s9 =	simm.s32 $0x13100  }
0x136: {  	[tilespmem:s9], [sflag:$0x1] =	stream.indirect_vreg.gather [hbm4b:s5+s2], $0x80, v4, vm0, $0xb8;
	[tilespmem:$0x18100] =	vst v63  }
0x137: {  	s9 =	simm.s32 $0x13900  }
0x138: {  	[tilespmem:s9], [sflag:$0x1] =	stream.indirect_vreg.gather [hbm4b:s3+s2], $0x80, v3, vm0, $0xb8;
	[tilespmem:$0x18100] =	vst v63  }
0x139: {  	s9 =	simm.s32 $0x14100  }
0x13a: {  	[tilespmem:s9], [sflag:$0x1] =	stream.indirect_vreg.gather [hbm4b:s4+s2], $0x80, v3, vm0, $0xb8;
	[tilespmem:$0x18100] =	vst v63  }
0x13b: {  	s9 =	simm.s32 $0x14900  }
0x13c: {  	[tilespmem:s9], [sflag:$0x1] =	stream.indirect_vreg.gather [hbm4b:s5+s2], $0x80, v3, vm0, $0xb8;
	[tilespmem:$0x18100] =	vst v63  }
0x13d: {  	v3 =	vld [tilespmem:$0xF0];
	_ =	sdelay $0x4  }
0x13e: {  	v63 =	vshrl.u32 v3, $0x3  }
0x13f: {  	v4 =	vmul.u32 $0x30, v63  }
0x140: {  	v3 =	vand.u32 $0x7, v3  }
0x141: {  	v3 =	vor.u32 v3, v4  }
0x142: {  	v4 =	vperm.xlane v3, v0;
	_ =	sdelay $0x1  }
0x143: {  	v4 =	vadd.s32 v1, v4;
	_ =	sdelay $0x3  }
0x144: {  	s9 =	simm.s32 $0x15100;
	v3 =	vperm.xlane v3, v2  }
0x145: {  	[tilespmem:s9], [sflag:$0x1] =	stream.indirect_vreg.gather [hbm4b:s3+s2], $0x80, v4, vm0, $0xb8;
	[tilespmem:$0x18100] =	vst v63  }
0x146: {  	v3 =	vadd.s32 v1, v3;
	s9 =	simm.s32 $0x15900  }
0x147: {  	[tilespmem:s9], [sflag:$0x1] =	stream.indirect_vreg.gather [hbm4b:s4+s2], $0x80, v4, vm0, $0xb8;
	[tilespmem:$0x18100] =	vst v63  }
0x148: {  	s9 =	simm.s32 $0x16100  }
0x149: {  	[tilespmem:s9], [sflag:$0x1] =	stream.indirect_vreg.gather [hbm4b:s5+s2], $0x80, v4, vm0, $0xb8;
	[tilespmem:$0x18100] =	vst v63  }
0x14a: {  	s9 =	simm.s32 $0x16900  }
0x14b: {  	[tilespmem:s9], [sflag:$0x1] =	stream.indirect_vreg.gather [hbm4b:s3+s2], $0x80, v3, vm0, $0xb8;
	[tilespmem:$0x18100] =	vst v63  }
0x14c: {  	s9 =	simm.s32 $0x17100  }
0x14d: {  	[tilespmem:s9], [sflag:$0x1] =	stream.indirect_vreg.gather [hbm4b:s4+s2], $0x80, v3, vm0, $0xb8;
	[tilespmem:$0x18100] =	vst v63  }
0x14e: {  	s9 =	simm.s32 $0x17900  }
0x14f: {  	[tilespmem:s9], [sflag:$0x1] =	stream.indirect_vreg.gather [hbm4b:s5+s2], $0x80, v3, vm0, $0xb8;
	[tilespmem:$0x18100] =	vst v63  }
0x150: {  	_ =	swait.ge [sflag:s1], $0x18000  }
0x151: {  	p0 =	sne.s32 s6, $0x1;
	s0 =	simm.s32 $0x100;
	[sflag:s1] =	ssyncset.done $0x0  }
.Ltmp0:
0x152: {  	s9 =	rddreg [dreg:$0x5];
	[sflag:s1] =	ssyncadd.s32 $0xFFFE8000;
	(pc) =	sbr.rel @p0 .LBB2_1-.Ltmp0, $4  }
0x153: {  	[hbm4b:s9+s2] =	stream.linear.scatter [tilespmem:s0], [sflag:$0x2], $0x18000, $0x38;
	[tilespmem:$0x18100] =	vst v63  }
0x154: {  	_ =	swait.ge [sflag:s7], $0x18000  }
0x155: {  	[sflag:s7] =	ssyncset.done $0x0  }
0x156: {  	s6 =	sadd.s32 $0xFFFFFFFF, s6;
	[sflag:s7] =	ssyncadd.s32 $0xFFFE8000  }
0x157: {  	_ =	sfence.sel $0x180000  }
0x158: {  	[bflag:$0x0] =	sbarrier.arrive $0xFFFF  }
0x159: {  	_ =	strace $0x9000004A  }
0x15a: {  	s0 =	stileid.u32;
	[bflag:$0x2] =	sbarrier.arrive $0xFFFF  }
0x15b: {  	p0 =	sne.s32 s0, $0x0;
	s0 =	rddreg [dreg:$0x2]  }
0x15c: {  	s0 =	sadd.s32 @!p0 $0x100000, s0  }
0x15d: {  	[sflag:s0] =	ssyncadd.tile.s32 @!p0 $0x1;
	_ =	shalt  }
.Lfunc_end2:
_tile_overlayer_lowered:
.L_overlay_start_2:
0x15e: {  	(tag) =	ssettag $0x2  }
0x15f: {  	s0 =	rddreg [dreg:$0x0];
	s2 =	stileid.u32  }
0x160: {  	s1 =	rddreg [dreg:$0x1];
	p0 =	sne.s32 s2, $0x0  }
0x161: {  	s3 =	rddreg [dreg:$0x2];
	[bflag:$0x3] =	sbarrier.arrive $0xFFFF;
	s2 =	simm.s32 @!p0 $0x1C02  }
0x162: {  	[timem:s3], [sflag:s2] =	dma.local @!p0 [hbm:s0], s1  }
0x163: {  	s0 =	simm.s32 @!p0 $0x2  }
0x164: {  	_ =	swait.ge @!p0 [sflag:s0], s1  }
0x165: {  	s1 =	ssub.s32 @!p0 $0x0, s1;
	[sflag:s0] =	ssyncset.done @!p0 $0x0  }
0x166: {  	[sflag:s0] =	ssyncadd.s32 @!p0 s1  }
0x167: {  	[bflag:$0x3] =	sbarrier.arrive $0xFFFF  }
0x168: {  	_ =	shalt  }

</sc_bundles>
